<compile_context>
chip_gen: v7x
topology: tpu7x:2x2x1
jax: 0.10.2.dev20260603
libtpu: 0.0.44.dev20260713+nightly
codegen_flags: <defaults>
</compile_context>

<pallas_src>
import functools

import jax
import jax.numpy as jnp
from jax import lax
from jax.experimental import pallas as pl
from jax.experimental.pallas import tpu as pltpu
from jax.experimental.pallas import tpu_sc as plsc

B = 16384
N_ROWS = 100000
WVD = 300
WVDP = 384
CAT = 2 * WVDP
LATENT = 2048
EMB = 512

NC = 2
NS = 16
NW = NC * NS
BPW = B // NW
CH = 128
NCH = BPW // CH
NSTEP = 2 * NCH

_sc_mesh = plsc.VectorSubcoreMesh(core_axis_name="c", subcore_axis_name="s")


@functools.partial(
    pl.kernel,
    mesh=_sc_mesh,
    out_type=jax.ShapeDtypeStruct((B, CAT), jnp.float32),
    scratch_types=[
        pltpu.VMEM((NSTEP, CH), jnp.int32),
        pltpu.VMEM((2, CH, WVDP), jnp.float32),
        pltpu.SemaphoreType.DMA,
        pltpu.SemaphoreType.DMA,
    ],
)
def _gather_sc(attrs_hbm, objs_hbm, attr_t, obj_t,
               cat, idx_v, rows, sem_g, sem_w):
    wid = lax.axis_index("s") * NC + lax.axis_index("c")
    base = wid * BPW

    steps = []
    for ti, (idxs_hbm, tbl) in enumerate(((attrs_hbm, attr_t),
                                          (objs_hbm, obj_t))):
        for ci in range(NCH):
            steps.append((ti * NCH + ci, idxs_hbm, ci * CH, tbl, ti * WVDP))

    idx_cps = [
        pltpu.async_copy(idxs_hbm.at[pl.ds(base + off, CH)], idx_v.at[k],
                         sem_g)
        for k, idxs_hbm, off, _, _ in steps
    ]
    for cp in idx_cps:
        cp.wait()

    def start_gather(k):
        _, _, _, tbl, _ = steps[k]
        return pltpu.async_copy(tbl.at[idx_v.at[k], pl.ds(0, WVDP)],
                                rows.at[k % 2], sem_g)

    def start_write(k):
        _, _, off, _, coff = steps[k]
        return pltpu.async_copy(
            rows.at[k % 2],
            cat.at[pl.ds(base + off, CH), pl.ds(coff, WVDP)], sem_w)

    gathers = {0: start_gather(0)}
    writes = {}
    for k in range(NSTEP):
        if k + 1 < NSTEP:
            if k - 1 in writes:
                writes.pop(k - 1).wait()
            gathers[k + 1] = start_gather(k + 1)
        gathers.pop(k).wait()
        writes[k] = start_write(k)
    for k in sorted(writes):
        writes.pop(k).wait()



RB = 1024


def _mlp_body(e_ref, mask_ref, w1_ref, b1_ref, w2_ref, b2_ref, out_ref):
    e = jnp.where(mask_ref[...] > 0, e_ref[...], 0.0)
    h = jnp.dot(e, w1_ref[...], preferred_element_type=jnp.float32) + b1_ref[...]
    h = jnp.maximum(h, 0.01 * h)
    out = jnp.dot(h, w2_ref[...], preferred_element_type=jnp.float32) + b2_ref[...]
    ssq = jnp.sum(out * out, axis=1, keepdims=True)
    out_ref[...] = out / jnp.maximum(jnp.sqrt(ssq), 1e-12)


_mlp_tc = pl.pallas_call(
    _mlp_body,
    grid=(B // RB,),
    in_specs=[
        pl.BlockSpec((RB, CAT), lambda i: (i, 0)),
        pl.BlockSpec((1, CAT), lambda i: (0, 0)),
        pl.BlockSpec((CAT, LATENT), lambda i: (0, 0)),
        pl.BlockSpec((1, LATENT), lambda i: (0, 0)),
        pl.BlockSpec((LATENT, EMB), lambda i: (0, 0)),
        pl.BlockSpec((1, EMB), lambda i: (0, 0)),
    ],
    out_specs=pl.BlockSpec((RB, EMB), lambda i: (i, 0)),
    out_shape=jax.ShapeDtypeStruct((B, EMB), jnp.float32),
)


def kernel(attrs, objs, attr_table, obj_table, W1, b1, W2, b2):
    attrs = attrs.astype(jnp.int32)
    objs = objs.astype(jnp.int32)
    cat = _gather_sc(attrs, objs, attr_table, obj_table)
    w1 = jnp.zeros((CAT, LATENT), jnp.float32)
    w1 = w1.at[:WVD].set(W1[:WVD]).at[WVDP:WVDP + WVD].set(W1[WVD:])
    col = jnp.arange(CAT, dtype=jnp.int32)[None, :]
    mask = ((col % WVDP) < WVD).astype(jnp.float32)
    return _mlp_tc(cat, mask, w1,
                   b1.reshape(1, LATENT), W2, b2.reshape(1, EMB))

# --- scband reference (transcript-rebuilt; emitter-appended) ---
"""Pipeline reference for scband-py-10840497455599 (READ-ONLY COPY).

The authoritative reference and input builder live on the scoring server;
editing this copy changes nothing except your own understanding.
"""

import jax, jax.numpy as jnp
import numpy as np

NUM_ATTRS = 100000
NUM_OBJS = 100000
WVD = 300
LATENT = 2048
EMB = 512
B = 16384


def setup_inputs(seed: int = 0) -> dict:
    key = jax.random.key(seed)
    ks = jax.random.split(key, 8)
    attrs = jax.random.randint(ks[0], (B,), 0, NUM_ATTRS, dtype=jnp.int32).astype(jnp.int64) if False else jax.random.randint(ks[0], (B,), 0, NUM_ATTRS)
    objs = jax.random.randint(ks[1], (B,), 0, NUM_OBJS)
    attr_table = jax.random.normal(ks[2], (NUM_ATTRS, WVD), dtype=jnp.float32) * 0.02
    obj_table = jax.random.normal(ks[3], (NUM_OBJS, WVD), dtype=jnp.float32) * 0.02
    W1 = jax.random.normal(ks[4], (2 * WVD, LATENT), dtype=jnp.float32) * 0.02
    b1 = jnp.zeros((LATENT,), dtype=jnp.float32)
    W2 = jax.random.normal(ks[5], (LATENT, EMB), dtype=jnp.float32) * 0.02
    b2 = jnp.zeros((EMB,), dtype=jnp.float32)
    return {"attrs": attrs, "objs": objs, "attr_table": attr_table, "obj_table": obj_table, "W1": W1, "b1": b1, "W2": W2, "b2": b2}


def reference(attrs, objs, attr_table, obj_table, W1, b1, W2, b2):
    # MLP prototype-learner branch of _Py.forward:
    # embed attrs and objs, concat, 2-layer MLP with LeakyReLU, then L2-normalize.
    ea = jnp.take(attr_table, attrs, axis=0)
    eo = jnp.take(obj_table, objs, axis=0)
    inputs = jnp.concatenate([ea, eo], axis=1)
    h = inputs @ W1 + b1
    h = jnp.where(h >= 0, h, 0.01 * h)  # LeakyReLU default negative_slope=0.01
    out = h @ W2 + b2
    norm = jnp.linalg.norm(out, axis=1, keepdims=True)
    out = out / jnp.clip(norm, 1e-12)  # F.normalize(dim=1)
    return out

if __name__ == "__main__":
    import jax
    _d = setup_inputs()
    print(jax.jit(kernel)(*tuple(_d.values())))

</pallas_src>

<mosaic_0001>
#map = affine_map<(d0, d1) -> (0)>
#map1 = affine_map<(d0, d1) -> (0, 0)>
module attributes {stable_mosaic.version = 14 : i64} {
  func.func @_gather_sc(%arg0: i32, %arg1: i32, %arg2: memref<16384xi32, #tpu.memory_space<hbm>>, %arg3: memref<16384xi32, #tpu.memory_space<hbm>>, %arg4: memref<100000x300xf32, #tpu.memory_space<hbm>>, %arg5: memref<100000x300xf32, #tpu.memory_space<hbm>>, %arg6: memref<16384x768xf32, #tpu.memory_space<hbm>>, %arg7: memref<8x128xi32, #tpu.memory_space<vmem>>, %arg8: memref<2x128x384xf32, #tpu.memory_space<vmem>>, %arg9: memref<!tpu.dma_semaphore, #tpu.memory_space<semaphore_mem>>, %arg10: memref<!tpu.dma_semaphore, #tpu.memory_space<semaphore_mem>>) attributes {dimension_semantics = [#tpu.dimension_semantics<core_parallel>, #tpu.dimension_semantics<subcore_parallel>], iteration_bounds = array<i64: 2, 16>, scalar_prefetch = 0 : i64, scratch_operands = 4 : i64, tpu.core_type = #tpu.core_type<sc_vector_subcore>, window_params = [{transform_indices = #map}, {transform_indices = #map}, {transform_indices = #map1}, {transform_indices = #map1}, {transform_indices = #map1}]} {
    %mul3A = arith.constant 2 : i32
    %mul3A_0 = arith.muli %arg1, %mul3A : i32
    %add3A = arith.addi %mul3A_0, %arg0 : i32
    %mul3A_1 = arith.constant 512 : i32
    %mul3A_2 = arith.muli %add3A, %mul3A_1 : i32
    %add3A_3 = arith.constant 0 : i32
    %add3A_4 = arith.addi %mul3A_2, %add3A_3 : i32
    %dma_start3A = arith.constant 0 : i32
    %dma_start3A_5 = arith.constant 0 : i32
    %dma_start3A_6 = tpu.memref_slice %arg7[%dma_start3A, %dma_start3A_5] : memref<8x128xi32, #tpu.memory_space<vmem>> -> memref<1x128xi32, #tpu.memory_space<vmem>>
    %dma_start3A_7 = tpu.memref_squeeze %dma_start3A_6 : memref<1x128xi32, #tpu.memory_space<vmem>> -> memref<128xi32, #tpu.memory_space<vmem>>
    %dma_start3A_8 = tpu.memref_slice %arg2[%add3A_4] : memref<16384xi32, #tpu.memory_space<hbm>> -> memref<128xi32, #tpu.memory_space<hbm>>
    %dma_start3A_9 = arith.constant 0 : i32
    %dma_start3A_10 = tpu.memref_slice %arg7[%dma_start3A, %dma_start3A_9] : memref<8x128xi32, #tpu.memory_space<vmem>> -> memref<1x128xi32, #tpu.memory_space<vmem>>
    %dma_start3A_11 = tpu.memref_squeeze %dma_start3A_10 : memref<1x128xi32, #tpu.memory_space<vmem>> -> memref<128xi32, #tpu.memory_space<vmem>>
    %dma_start3A_12 = tpu.memref_slice %arg2[%add3A_4] : memref<16384xi32, #tpu.memory_space<hbm>> -> memref<128xi32, #tpu.memory_space<hbm>>
    tpu.enqueue_dma source(%dma_start3A_12 : memref<128xi32, #tpu.memory_space<hbm>>) target(%dma_start3A_11 : memref<128xi32, #tpu.memory_space<vmem>>) target_semaphore(%arg9 : memref<!tpu.dma_semaphore, #tpu.memory_space<semaphore_mem>>)
    %add3A_13 = arith.constant 128 : i32
    %add3A_14 = arith.addi %mul3A_2, %add3A_13 : i32
    %dma_start3A_15 = arith.constant 1 : i32
    %dma_start3A_16 = arith.constant 0 : i32
    %dma_start3A_17 = tpu.memref_slice %arg7[%dma_start3A_15, %dma_start3A_16] : memref<8x128xi32, #tpu.memory_space<vmem>> -> memref<1x128xi32, #tpu.memory_space<vmem>>
    %dma_start3A_18 = tpu.memref_squeeze %dma_start3A_17 : memref<1x128xi32, #tpu.memory_space<vmem>> -> memref<128xi32, #tpu.memory_space<vmem>>
    %dma_start3A_19 = tpu.memref_slice %arg2[%add3A_14] : memref<16384xi32, #tpu.memory_space<hbm>> -> memref<128xi32, #tpu.memory_space<hbm>>
    %dma_start3A_20 = arith.constant 0 : i32
    %dma_start3A_21 = tpu.memref_slice %arg7[%dma_start3A_15, %dma_start3A_20] : memref<8x128xi32, #tpu.memory_space<vmem>> -> memref<1x128xi32, #tpu.memory_space<vmem>>
    %dma_start3A_22 = tpu.memref_squeeze %dma_start3A_21 : memref<1x128xi32, #tpu.memory_space<vmem>> -> memref<128xi32, #tpu.memory_space<vmem>>
    %dma_start3A_23 = tpu.memref_slice %arg2[%add3A_14] : memref<16384xi32, #tpu.memory_space<hbm>> -> memref<128xi32, #tpu.memory_space<hbm>>
    tpu.enqueue_dma source(%dma_start3A_23 : memref<128xi32, #tpu.memory_space<hbm>>) target(%dma_start3A_22 : memref<128xi32, #tpu.memory_space<vmem>>) target_semaphore(%arg9 : memref<!tpu.dma_semaphore, #tpu.memory_space<semaphore_mem>>)
    %add3A_24 = arith.constant 256 : i32
    %add3A_25 = arith.addi %mul3A_2, %add3A_24 : i32
    %dma_start3A_26 = arith.constant 2 : i32
    %dma_start3A_27 = arith.constant 0 : i32
    %dma_start3A_28 = tpu.memref_slice %arg7[%dma_start3A_26, %dma_start3A_27] : memref<8x128xi32, #tpu.memory_space<vmem>> -> memref<1x128xi32, #tpu.memory_space<vmem>>
    %dma_start3A_29 = tpu.memref_squeeze %dma_start3A_28 : memref<1x128xi32, #tpu.memory_space<vmem>> -> memref<128xi32, #tpu.memory_space<vmem>>
    %dma_start3A_30 = tpu.memref_slice %arg2[%add3A_25] : memref<16384xi32, #tpu.memory_space<hbm>> -> memref<128xi32, #tpu.memory_space<hbm>>
    %dma_start3A_31 = arith.constant 0 : i32
    %dma_start3A_32 = tpu.memref_slice %arg7[%dma_start3A_26, %dma_start3A_31] : memref<8x128xi32, #tpu.memory_space<vmem>> -> memref<1x128xi32, #tpu.memory_space<vmem>>
    %dma_start3A_33 = tpu.memref_squeeze %dma_start3A_32 : memref<1x128xi32, #tpu.memory_space<vmem>> -> memref<128xi32, #tpu.memory_space<vmem>>
    %dma_start3A_34 = tpu.memref_slice %arg2[%add3A_25] : memref<16384xi32, #tpu.memory_space<hbm>> -> memref<128xi32, #tpu.memory_space<hbm>>
    tpu.enqueue_dma source(%dma_start3A_34 : memref<128xi32, #tpu.memory_space<hbm>>) target(%dma_start3A_33 : memref<128xi32, #tpu.memory_space<vmem>>) target_semaphore(%arg9 : memref<!tpu.dma_semaphore, #tpu.memory_space<semaphore_mem>>)
    %add3A_35 = arith.constant 384 : i32
    %add3A_36 = arith.addi %mul3A_2, %add3A_35 : i32
    %dma_start3A_37 = arith.constant 3 : i32
    %dma_start3A_38 = arith.constant 0 : i32
    %dma_start3A_39 = tpu.memref_slice %arg7[%dma_start3A_37, %dma_start3A_38] : memref<8x128xi32, #tpu.memory_space<vmem>> -> memref<1x128xi32, #tpu.memory_space<vmem>>
    %dma_start3A_40 = tpu.memref_squeeze %dma_start3A_39 : memref<1x128xi32, #tpu.memory_space<vmem>> -> memref<128xi32, #tpu.memory_space<vmem>>
    %dma_start3A_41 = tpu.memref_slice %arg2[%add3A_36] : memref<16384xi32, #tpu.memory_space<hbm>> -> memref<128xi32, #tpu.memory_space<hbm>>
    %dma_start3A_42 = arith.constant 0 : i32
    %dma_start3A_43 = tpu.memref_slice %arg7[%dma_start3A_37, %dma_start3A_42] : memref<8x128xi32, #tpu.memory_space<vmem>> -> memref<1x128xi32, #tpu.memory_space<vmem>>
    %dma_start3A_44 = tpu.memref_squeeze %dma_start3A_43 : memref<1x128xi32, #tpu.memory_space<vmem>> -> memref<128xi32, #tpu.memory_space<vmem>>
    %dma_start3A_45 = tpu.memref_slice %arg2[%add3A_36] : memref<16384xi32, #tpu.memory_space<hbm>> -> memref<128xi32, #tpu.memory_space<hbm>>
    tpu.enqueue_dma source(%dma_start3A_45 : memref<128xi32, #tpu.memory_space<hbm>>) target(%dma_start3A_44 : memref<128xi32, #tpu.memory_space<vmem>>) target_semaphore(%arg9 : memref<!tpu.dma_semaphore, #tpu.memory_space<semaphore_mem>>)
    %add3A_46 = arith.constant 0 : i32
    %add3A_47 = arith.addi %mul3A_2, %add3A_46 : i32
    %dma_start3A_48 = arith.constant 4 : i32
    %dma_start3A_49 = arith.constant 0 : i32
    %dma_start3A_50 = tpu.memref_slice %arg7[%dma_start3A_48, %dma_start3A_49] : memref<8x128xi32, #tpu.memory_space<vmem>> -> memref<1x128xi32, #tpu.memory_space<vmem>>
    %dma_start3A_51 = tpu.memref_squeeze %dma_start3A_50 : memref<1x128xi32, #tpu.memory_space<vmem>> -> memref<128xi32, #tpu.memory_space<vmem>>
    %dma_start3A_52 = tpu.memref_slice %arg3[%add3A_47] : memref<16384xi32, #tpu.memory_space<hbm>> -> memref<128xi32, #tpu.memory_space<hbm>>
    %dma_start3A_53 = arith.constant 0 : i32
    %dma_start3A_54 = tpu.memref_slice %arg7[%dma_start3A_48, %dma_start3A_53] : memref<8x128xi32, #tpu.memory_space<vmem>> -> memref<1x128xi32, #tpu.memory_space<vmem>>
    %dma_start3A_55 = tpu.memref_squeeze %dma_start3A_54 : memref<1x128xi32, #tpu.memory_space<vmem>> -> memref<128xi32, #tpu.memory_space<vmem>>
    %dma_start3A_56 = tpu.memref_slice %arg3[%add3A_47] : memref<16384xi32, #tpu.memory_space<hbm>> -> memref<128xi32, #tpu.memory_space<hbm>>
    tpu.enqueue_dma source(%dma_start3A_56 : memref<128xi32, #tpu.memory_space<hbm>>) target(%dma_start3A_55 : memref<128xi32, #tpu.memory_space<vmem>>) target_semaphore(%arg9 : memref<!tpu.dma_semaphore, #tpu.memory_space<semaphore_mem>>)
    %add3A_57 = arith.constant 128 : i32
    %add3A_58 = arith.addi %mul3A_2, %add3A_57 : i32
    %dma_start3A_59 = arith.constant 5 : i32
    %dma_start3A_60 = arith.constant 0 : i32
    %dma_start3A_61 = tpu.memref_slice %arg7[%dma_start3A_59, %dma_start3A_60] : memref<8x128xi32, #tpu.memory_space<vmem>> -> memref<1x128xi32, #tpu.memory_space<vmem>>
    %dma_start3A_62 = tpu.memref_squeeze %dma_start3A_61 : memref<1x128xi32, #tpu.memory_space<vmem>> -> memref<128xi32, #tpu.memory_space<vmem>>
    %dma_start3A_63 = tpu.memref_slice %arg3[%add3A_58] : memref<16384xi32, #tpu.memory_space<hbm>> -> memref<128xi32, #tpu.memory_space<hbm>>
    %dma_start3A_64 = arith.constant 0 : i32
    %dma_start3A_65 = tpu.memref_slice %arg7[%dma_start3A_59, %dma_start3A_64] : memref<8x128xi32, #tpu.memory_space<vmem>> -> memref<1x128xi32, #tpu.memory_space<vmem>>
    %dma_start3A_66 = tpu.memref_squeeze %dma_start3A_65 : memref<1x128xi32, #tpu.memory_space<vmem>> -> memref<128xi32, #tpu.memory_space<vmem>>
    %dma_start3A_67 = tpu.memref_slice %arg3[%add3A_58] : memref<16384xi32, #tpu.memory_space<hbm>> -> memref<128xi32, #tpu.memory_space<hbm>>
    tpu.enqueue_dma source(%dma_start3A_67 : memref<128xi32, #tpu.memory_space<hbm>>) target(%dma_start3A_66 : memref<128xi32, #tpu.memory_space<vmem>>) target_semaphore(%arg9 : memref<!tpu.dma_semaphore, #tpu.memory_space<semaphore_mem>>)
    %add3A_68 = arith.constant 256 : i32
    %add3A_69 = arith.addi %mul3A_2, %add3A_68 : i32
    %dma_start3A_70 = arith.constant 6 : i32
    %dma_start3A_71 = arith.constant 0 : i32
    %dma_start3A_72 = tpu.memref_slice %arg7[%dma_start3A_70, %dma_start3A_71] : memref<8x128xi32, #tpu.memory_space<vmem>> -> memref<1x128xi32, #tpu.memory_space<vmem>>
    %dma_start3A_73 = tpu.memref_squeeze %dma_start3A_72 : memref<1x128xi32, #tpu.memory_space<vmem>> -> memref<128xi32, #tpu.memory_space<vmem>>
    %dma_start3A_74 = tpu.memref_slice %arg3[%add3A_69] : memref<16384xi32, #tpu.memory_space<hbm>> -> memref<128xi32, #tpu.memory_space<hbm>>
    %dma_start3A_75 = arith.constant 0 : i32
    %dma_start3A_76 = tpu.memref_slice %arg7[%dma_start3A_70, %dma_start3A_75] : memref<8x128xi32, #tpu.memory_space<vmem>> -> memref<1x128xi32, #tpu.memory_space<vmem>>
    %dma_start3A_77 = tpu.memref_squeeze %dma_start3A_76 : memref<1x128xi32, #tpu.memory_space<vmem>> -> memref<128xi32, #tpu.memory_space<vmem>>
    %dma_start3A_78 = tpu.memref_slice %arg3[%add3A_69] : memref<16384xi32, #tpu.memory_space<hbm>> -> memref<128xi32, #tpu.memory_space<hbm>>
    tpu.enqueue_dma source(%dma_start3A_78 : memref<128xi32, #tpu.memory_space<hbm>>) target(%dma_start3A_77 : memref<128xi32, #tpu.memory_space<vmem>>) target_semaphore(%arg9 : memref<!tpu.dma_semaphore, #tpu.memory_space<semaphore_mem>>)
    %add3A_79 = arith.constant 384 : i32
    %add3A_80 = arith.addi %mul3A_2, %add3A_79 : i32
    %dma_start3A_81 = arith.constant 7 : i32
    %dma_start3A_82 = arith.constant 0 : i32
    %dma_start3A_83 = tpu.memref_slice %arg7[%dma_start3A_81, %dma_start3A_82] : memref<8x128xi32, #tpu.memory_space<vmem>> -> memref<1x128xi32, #tpu.memory_space<vmem>>
    %dma_start3A_84 = tpu.memref_squeeze %dma_start3A_83 : memref<1x128xi32, #tpu.memory_space<vmem>> -> memref<128xi32, #tpu.memory_space<vmem>>
    %dma_start3A_85 = tpu.memref_slice %arg3[%add3A_80] : memref<16384xi32, #tpu.memory_space<hbm>> -> memref<128xi32, #tpu.memory_space<hbm>>
    %dma_start3A_86 = arith.constant 0 : i32
    %dma_start3A_87 = tpu.memref_slice %arg7[%dma_start3A_81, %dma_start3A_86] : memref<8x128xi32, #tpu.memory_space<vmem>> -> memref<1x128xi32, #tpu.memory_space<vmem>>
    %dma_start3A_88 = tpu.memref_squeeze %dma_start3A_87 : memref<1x128xi32, #tpu.memory_space<vmem>> -> memref<128xi32, #tpu.memory_space<vmem>>
    %dma_start3A_89 = tpu.memref_slice %arg3[%add3A_80] : memref<16384xi32, #tpu.memory_space<hbm>> -> memref<128xi32, #tpu.memory_space<hbm>>
    tpu.enqueue_dma source(%dma_start3A_89 : memref<128xi32, #tpu.memory_space<hbm>>) target(%dma_start3A_88 : memref<128xi32, #tpu.memory_space<vmem>>) target_semaphore(%arg9 : memref<!tpu.dma_semaphore, #tpu.memory_space<semaphore_mem>>)
    %dma_wait3A = arith.constant 0 : i32
    %dma_wait3A_90 = arith.constant 0 : i32
    %dma_wait3A_91 = tpu.memref_slice %arg7[%dma_wait3A, %dma_wait3A_90] : memref<8x128xi32, #tpu.memory_space<vmem>> -> memref<1x128xi32, #tpu.memory_space<vmem>>
    %dma_wait3A_92 = tpu.memref_squeeze %dma_wait3A_91 : memref<1x128xi32, #tpu.memory_space<vmem>> -> memref<128xi32, #tpu.memory_space<vmem>>
    %dma_wait3A_93 = tpu.memref_slice %arg2[%add3A_4] : memref<16384xi32, #tpu.memory_space<hbm>> -> memref<128xi32, #tpu.memory_space<hbm>>
    %dma_wait3A_94 = arith.constant 0 : i32
    %dma_wait3A_95 = tpu.memref_slice %arg7[%dma_wait3A, %dma_wait3A_94] : memref<8x128xi32, #tpu.memory_space<vmem>> -> memref<1x128xi32, #tpu.memory_space<vmem>>
    %dma_wait3A_96 = tpu.memref_squeeze %dma_wait3A_95 : memref<1x128xi32, #tpu.memory_space<vmem>> -> memref<128xi32, #tpu.memory_space<vmem>>
    %dma_wait3A_97 = tpu.memref_slice %arg2[%add3A_4] : memref<16384xi32, #tpu.memory_space<hbm>> -> memref<128xi32, #tpu.memory_space<hbm>>
    tpu.wait_dma2 semaphore(%arg9 : memref<!tpu.dma_semaphore, #tpu.memory_space<semaphore_mem>>) src(%dma_wait3A_97 : memref<128xi32, #tpu.memory_space<hbm>>) dst(%dma_wait3A_96 : memref<128xi32, #tpu.memory_space<vmem>>)
    %dma_wait3A_98 = arith.constant 1 : i32
    %dma_wait3A_99 = arith.constant 0 : i32
    %dma_wait3A_100 = tpu.memref_slice %arg7[%dma_wait3A_98, %dma_wait3A_99] : memref<8x128xi32, #tpu.memory_space<vmem>> -> memref<1x128xi32, #tpu.memory_space<vmem>>
    %dma_wait3A_101 = tpu.memref_squeeze %dma_wait3A_100 : memref<1x128xi32, #tpu.memory_space<vmem>> -> memref<128xi32, #tpu.memory_space<vmem>>
    %dma_wait3A_102 = tpu.memref_slice %arg2[%add3A_14] : memref<16384xi32, #tpu.memory_space<hbm>> -> memref<128xi32, #tpu.memory_space<hbm>>
    %dma_wait3A_103 = arith.constant 0 : i32
    %dma_wait3A_104 = tpu.memref_slice %arg7[%dma_wait3A_98, %dma_wait3A_103] : memref<8x128xi32, #tpu.memory_space<vmem>> -> memref<1x128xi32, #tpu.memory_space<vmem>>
    %dma_wait3A_105 = tpu.memref_squeeze %dma_wait3A_104 : memref<1x128xi32, #tpu.memory_space<vmem>> -> memref<128xi32, #tpu.memory_space<vmem>>
    %dma_wait3A_106 = tpu.memref_slice %arg2[%add3A_14] : memref<16384xi32, #tpu.memory_space<hbm>> -> memref<128xi32, #tpu.memory_space<hbm>>
    tpu.wait_dma2 semaphore(%arg9 : memref<!tpu.dma_semaphore, #tpu.memory_space<semaphore_mem>>) src(%dma_wait3A_106 : memref<128xi32, #tpu.memory_space<hbm>>) dst(%dma_wait3A_105 : memref<128xi32, #tpu.memory_space<vmem>>)
    %dma_wait3A_107 = arith.constant 2 : i32
    %dma_wait3A_108 = arith.constant 0 : i32
    %dma_wait3A_109 = tpu.memref_slice %arg7[%dma_wait3A_107, %dma_wait3A_108] : memref<8x128xi32, #tpu.memory_space<vmem>> -> memref<1x128xi32, #tpu.memory_space<vmem>>
    %dma_wait3A_110 = tpu.memref_squeeze %dma_wait3A_109 : memref<1x128xi32, #tpu.memory_space<vmem>> -> memref<128xi32, #tpu.memory_space<vmem>>
    %dma_wait3A_111 = tpu.memref_slice %arg2[%add3A_25] : memref<16384xi32, #tpu.memory_space<hbm>> -> memref<128xi32, #tpu.memory_space<hbm>>
    %dma_wait3A_112 = arith.constant 0 : i32
    %dma_wait3A_113 = tpu.memref_slice %arg7[%dma_wait3A_107, %dma_wait3A_112] : memref<8x128xi32, #tpu.memory_space<vmem>> -> memref<1x128xi32, #tpu.memory_space<vmem>>
    %dma_wait3A_114 = tpu.memref_squeeze %dma_wait3A_113 : memref<1x128xi32, #tpu.memory_space<vmem>> -> memref<128xi32, #tpu.memory_space<vmem>>
    %dma_wait3A_115 = tpu.memref_slice %arg2[%add3A_25] : memref<16384xi32, #tpu.memory_space<hbm>> -> memref<128xi32, #tpu.memory_space<hbm>>
    tpu.wait_dma2 semaphore(%arg9 : memref<!tpu.dma_semaphore, #tpu.memory_space<semaphore_mem>>) src(%dma_wait3A_115 : memref<128xi32, #tpu.memory_space<hbm>>) dst(%dma_wait3A_114 : memref<128xi32, #tpu.memory_space<vmem>>)
    %dma_wait3A_116 = arith.constant 3 : i32
    %dma_wait3A_117 = arith.constant 0 : i32
    %dma_wait3A_118 = tpu.memref_slice %arg7[%dma_wait3A_116, %dma_wait3A_117] : memref<8x128xi32, #tpu.memory_space<vmem>> -> memref<1x128xi32, #tpu.memory_space<vmem>>
    %dma_wait3A_119 = tpu.memref_squeeze %dma_wait3A_118 : memref<1x128xi32, #tpu.memory_space<vmem>> -> memref<128xi32, #tpu.memory_space<vmem>>
    %dma_wait3A_120 = tpu.memref_slice %arg2[%add3A_36] : memref<16384xi32, #tpu.memory_space<hbm>> -> memref<128xi32, #tpu.memory_space<hbm>>
    %dma_wait3A_121 = arith.constant 0 : i32
    %dma_wait3A_122 = tpu.memref_slice %arg7[%dma_wait3A_116, %dma_wait3A_121] : memref<8x128xi32, #tpu.memory_space<vmem>> -> memref<1x128xi32, #tpu.memory_space<vmem>>
    %dma_wait3A_123 = tpu.memref_squeeze %dma_wait3A_122 : memref<1x128xi32, #tpu.memory_space<vmem>> -> memref<128xi32, #tpu.memory_space<vmem>>
    %dma_wait3A_124 = tpu.memref_slice %arg2[%add3A_36] : memref<16384xi32, #tpu.memory_space<hbm>> -> memref<128xi32, #tpu.memory_space<hbm>>
    tpu.wait_dma2 semaphore(%arg9 : memref<!tpu.dma_semaphore, #tpu.memory_space<semaphore_mem>>) src(%dma_wait3A_124 : memref<128xi32, #tpu.memory_space<hbm>>) dst(%dma_wait3A_123 : memref<128xi32, #tpu.memory_space<vmem>>)
    %dma_wait3A_125 = arith.constant 4 : i32
    %dma_wait3A_126 = arith.constant 0 : i32
    %dma_wait3A_127 = tpu.memref_slice %arg7[%dma_wait3A_125, %dma_wait3A_126] : memref<8x128xi32, #tpu.memory_space<vmem>> -> memref<1x128xi32, #tpu.memory_space<vmem>>
    %dma_wait3A_128 = tpu.memref_squeeze %dma_wait3A_127 : memref<1x128xi32, #tpu.memory_space<vmem>> -> memref<128xi32, #tpu.memory_space<vmem>>
    %dma_wait3A_129 = tpu.memref_slice %arg3[%add3A_47] : memref<16384xi32, #tpu.memory_space<hbm>> -> memref<128xi32, #tpu.memory_space<hbm>>
    %dma_wait3A_130 = arith.constant 0 : i32
    %dma_wait3A_131 = tpu.memref_slice %arg7[%dma_wait3A_125, %dma_wait3A_130] : memref<8x128xi32, #tpu.memory_space<vmem>> -> memref<1x128xi32, #tpu.memory_space<vmem>>
    %dma_wait3A_132 = tpu.memref_squeeze %dma_wait3A_131 : memref<1x128xi32, #tpu.memory_space<vmem>> -> memref<128xi32, #tpu.memory_space<vmem>>
    %dma_wait3A_133 = tpu.memref_slice %arg3[%add3A_47] : memref<16384xi32, #tpu.memory_space<hbm>> -> memref<128xi32, #tpu.memory_space<hbm>>
    tpu.wait_dma2 semaphore(%arg9 : memref<!tpu.dma_semaphore, #tpu.memory_space<semaphore_mem>>) src(%dma_wait3A_133 : memref<128xi32, #tpu.memory_space<hbm>>) dst(%dma_wait3A_132 : memref<128xi32, #tpu.memory_space<vmem>>)
    %dma_wait3A_134 = arith.constant 5 : i32
    %dma_wait3A_135 = arith.constant 0 : i32
    %dma_wait3A_136 = tpu.memref_slice %arg7[%dma_wait3A_134, %dma_wait3A_135] : memref<8x128xi32, #tpu.memory_space<vmem>> -> memref<1x128xi32, #tpu.memory_space<vmem>>
    %dma_wait3A_137 = tpu.memref_squeeze %dma_wait3A_136 : memref<1x128xi32, #tpu.memory_space<vmem>> -> memref<128xi32, #tpu.memory_space<vmem>>
    %dma_wait3A_138 = tpu.memref_slice %arg3[%add3A_58] : memref<16384xi32, #tpu.memory_space<hbm>> -> memref<128xi32, #tpu.memory_space<hbm>>
    %dma_wait3A_139 = arith.constant 0 : i32
    %dma_wait3A_140 = tpu.memref_slice %arg7[%dma_wait3A_134, %dma_wait3A_139] : memref<8x128xi32, #tpu.memory_space<vmem>> -> memref<1x128xi32, #tpu.memory_space<vmem>>
    %dma_wait3A_141 = tpu.memref_squeeze %dma_wait3A_140 : memref<1x128xi32, #tpu.memory_space<vmem>> -> memref<128xi32, #tpu.memory_space<vmem>>
    %dma_wait3A_142 = tpu.memref_slice %arg3[%add3A_58] : memref<16384xi32, #tpu.memory_space<hbm>> -> memref<128xi32, #tpu.memory_space<hbm>>
    tpu.wait_dma2 semaphore(%arg9 : memref<!tpu.dma_semaphore, #tpu.memory_space<semaphore_mem>>) src(%dma_wait3A_142 : memref<128xi32, #tpu.memory_space<hbm>>) dst(%dma_wait3A_141 : memref<128xi32, #tpu.memory_space<vmem>>)
    %dma_wait3A_143 = arith.constant 6 : i32
    %dma_wait3A_144 = arith.constant 0 : i32
    %dma_wait3A_145 = tpu.memref_slice %arg7[%dma_wait3A_143, %dma_wait3A_144] : memref<8x128xi32, #tpu.memory_space<vmem>> -> memref<1x128xi32, #tpu.memory_space<vmem>>
    %dma_wait3A_146 = tpu.memref_squeeze %dma_wait3A_145 : memref<1x128xi32, #tpu.memory_space<vmem>> -> memref<128xi32, #tpu.memory_space<vmem>>
    %dma_wait3A_147 = tpu.memref_slice %arg3[%add3A_69] : memref<16384xi32, #tpu.memory_space<hbm>> -> memref<128xi32, #tpu.memory_space<hbm>>
    %dma_wait3A_148 = arith.constant 0 : i32
    %dma_wait3A_149 = tpu.memref_slice %arg7[%dma_wait3A_143, %dma_wait3A_148] : memref<8x128xi32, #tpu.memory_space<vmem>> -> memref<1x128xi32, #tpu.memory_space<vmem>>
    %dma_wait3A_150 = tpu.memref_squeeze %dma_wait3A_149 : memref<1x128xi32, #tpu.memory_space<vmem>> -> memref<128xi32, #tpu.memory_space<vmem>>
    %dma_wait3A_151 = tpu.memref_slice %arg3[%add3A_69] : memref<16384xi32, #tpu.memory_space<hbm>> -> memref<128xi32, #tpu.memory_space<hbm>>
    tpu.wait_dma2 semaphore(%arg9 : memref<!tpu.dma_semaphore, #tpu.memory_space<semaphore_mem>>) src(%dma_wait3A_151 : memref<128xi32, #tpu.memory_space<hbm>>) dst(%dma_wait3A_150 : memref<128xi32, #tpu.memory_space<vmem>>)
    %dma_wait3A_152 = arith.constant 7 : i32
    %dma_wait3A_153 = arith.constant 0 : i32
    %dma_wait3A_154 = tpu.memref_slice %arg7[%dma_wait3A_152, %dma_wait3A_153] : memref<8x128xi32, #tpu.memory_space<vmem>> -> memref<1x128xi32, #tpu.memory_space<vmem>>
    %dma_wait3A_155 = tpu.memref_squeeze %dma_wait3A_154 : memref<1x128xi32, #tpu.memory_space<vmem>> -> memref<128xi32, #tpu.memory_space<vmem>>
    %dma_wait3A_156 = tpu.memref_slice %arg3[%add3A_80] : memref<16384xi32, #tpu.memory_space<hbm>> -> memref<128xi32, #tpu.memory_space<hbm>>
    %dma_wait3A_157 = arith.constant 0 : i32
    %dma_wait3A_158 = tpu.memref_slice %arg7[%dma_wait3A_152, %dma_wait3A_157] : memref<8x128xi32, #tpu.memory_space<vmem>> -> memref<1x128xi32, #tpu.memory_space<vmem>>
    %dma_wait3A_159 = tpu.memref_squeeze %dma_wait3A_158 : memref<1x128xi32, #tpu.memory_space<vmem>> -> memref<128xi32, #tpu.memory_space<vmem>>
    %dma_wait3A_160 = tpu.memref_slice %arg3[%add3A_80] : memref<16384xi32, #tpu.memory_space<hbm>> -> memref<128xi32, #tpu.memory_space<hbm>>
    tpu.wait_dma2 semaphore(%arg9 : memref<!tpu.dma_semaphore, #tpu.memory_space<semaphore_mem>>) src(%dma_wait3A_160 : memref<128xi32, #tpu.memory_space<hbm>>) dst(%dma_wait3A_159 : memref<128xi32, #tpu.memory_space<vmem>>)
    %dma_start3A_161 = arith.constant 0 : i32
    %dma_start3A_162 = arith.constant 0 : i32
    %dma_start3A_163 = arith.constant 0 : i32
    %dma_start3A_164 = arith.constant 0 : i32
    %dma_start3A_165 = tpu.memref_slice %arg8[%dma_start3A_162, %dma_start3A_163, %dma_start3A_164] : memref<2x128x384xf32, #tpu.memory_space<vmem>> -> memref<1x128x384xf32, #tpu.memory_space<vmem>>
    %dma_start3A_166 = tpu.memref_squeeze %dma_start3A_165 : memref<1x128x384xf32, #tpu.memory_space<vmem>> -> memref<128x384xf32, #tpu.memory_space<vmem>>
    %dma_start3A_167 = arith.constant 0 : i32
    %dma_start3A_168 = tpu.memref_slice %arg7[%dma_start3A_161, %dma_start3A_167] : memref<8x128xi32, #tpu.memory_space<vmem>> -> memref<1x128xi32, #tpu.memory_space<vmem>>
    %dma_start3A_169 = tpu.memref_squeeze %dma_start3A_168 : memref<1x128xi32, #tpu.memory_space<vmem>> -> memref<128xi32, #tpu.memory_space<vmem>>
    %dma_start3A_170 = arith.constant 0 : i32
    %dma_start3A_171 = arith.constant 0 : i32
    %dma_start3A_172 = tpu.memref_slice %arg4[%dma_start3A_170, %dma_start3A_171] : memref<100000x300xf32, #tpu.memory_space<hbm>> -> memref<100000x384xf32, #tpu.memory_space<hbm>>
    tpu.enqueue_indirect_dma source(%dma_start3A_172 : memref<100000x384xf32, #tpu.memory_space<hbm>>) target(%dma_start3A_166 : memref<128x384xf32, #tpu.memory_space<vmem>>) offsets(%dma_start3A_169 : memref<128xi32, #tpu.memory_space<vmem>>) semaphore(%arg9 : memref<!tpu.dma_semaphore, #tpu.memory_space<semaphore_mem>>)
    %dma_start3A_173 = arith.constant 1 : i32
    %dma_start3A_174 = arith.constant 1 : i32
    %dma_start3A_175 = arith.constant 0 : i32
    %dma_start3A_176 = arith.constant 0 : i32
    %dma_start3A_177 = tpu.memref_slice %arg8[%dma_start3A_174, %dma_start3A_175, %dma_start3A_176] : memref<2x128x384xf32, #tpu.memory_space<vmem>> -> memref<1x128x384xf32, #tpu.memory_space<vmem>>
    %dma_start3A_178 = tpu.memref_squeeze %dma_start3A_177 : memref<1x128x384xf32, #tpu.memory_space<vmem>> -> memref<128x384xf32, #tpu.memory_space<vmem>>
    %dma_start3A_179 = arith.constant 0 : i32
    %dma_start3A_180 = tpu.memref_slice %arg7[%dma_start3A_173, %dma_start3A_179] : memref<8x128xi32, #tpu.memory_space<vmem>> -> memref<1x128xi32, #tpu.memory_space<vmem>>
    %dma_start3A_181 = tpu.memref_squeeze %dma_start3A_180 : memref<1x128xi32, #tpu.memory_space<vmem>> -> memref<128xi32, #tpu.memory_space<vmem>>
    %dma_start3A_182 = arith.constant 0 : i32
    %dma_start3A_183 = arith.constant 0 : i32
    %dma_start3A_184 = tpu.memref_slice %arg4[%dma_start3A_182, %dma_start3A_183] : memref<100000x300xf32, #tpu.memory_space<hbm>> -> memref<100000x384xf32, #tpu.memory_space<hbm>>
    tpu.enqueue_indirect_dma source(%dma_start3A_184 : memref<100000x384xf32, #tpu.memory_space<hbm>>) target(%dma_start3A_178 : memref<128x384xf32, #tpu.memory_space<vmem>>) offsets(%dma_start3A_181 : memref<128xi32, #tpu.memory_space<vmem>>) semaphore(%arg9 : memref<!tpu.dma_semaphore, #tpu.memory_space<semaphore_mem>>)
    %dma_wait3A_185 = arith.constant 0 : i32
    %dma_wait3A_186 = arith.constant 0 : i32
    %dma_wait3A_187 = arith.constant 0 : i32
    %dma_wait3A_188 = arith.constant 0 : i32
    %dma_wait3A_189 = tpu.memref_slice %arg8[%dma_wait3A_186, %dma_wait3A_187, %dma_wait3A_188] : memref<2x128x384xf32, #tpu.memory_space<vmem>> -> memref<1x128x384xf32, #tpu.memory_space<vmem>>
    %dma_wait3A_190 = tpu.memref_squeeze %dma_wait3A_189 : memref<1x128x384xf32, #tpu.memory_space<vmem>> -> memref<128x384xf32, #tpu.memory_space<vmem>>
    %dma_wait3A_191 = arith.constant 0 : i32
    %dma_wait3A_192 = tpu.memref_slice %arg7[%dma_wait3A_185, %dma_wait3A_191] : memref<8x128xi32, #tpu.memory_space<vmem>> -> memref<1x128xi32, #tpu.memory_space<vmem>>
    %dma_wait3A_193 = tpu.memref_squeeze %dma_wait3A_192 : memref<1x128xi32, #tpu.memory_space<vmem>> -> memref<128xi32, #tpu.memory_space<vmem>>
    %dma_wait3A_194 = arith.constant 0 : i32
    %dma_wait3A_195 = arith.constant 0 : i32
    %dma_wait3A_196 = tpu.memref_slice %arg4[%dma_wait3A_194, %dma_wait3A_195] : memref<100000x300xf32, #tpu.memory_space<hbm>> -> memref<100000x384xf32, #tpu.memory_space<hbm>>
    tpu.wait_indirect_dma semaphore(%arg9 : memref<!tpu.dma_semaphore, #tpu.memory_space<semaphore_mem>>) src(%dma_wait3A_196 : memref<100000x384xf32, #tpu.memory_space<hbm>>) dst(%dma_wait3A_190 : memref<128x384xf32, #tpu.memory_space<vmem>>)
    %add3A_197 = arith.constant 0 : i32
    %add3A_198 = arith.addi %mul3A_2, %add3A_197 : i32
    %dma_start3A_199 = arith.constant 0 : i32
    %dma_start3A_200 = arith.constant 0 : i32
    %dma_start3A_201 = arith.constant 0 : i32
    %dma_start3A_202 = tpu.memref_slice %arg8[%dma_start3A_199, %dma_start3A_200, %dma_start3A_201] : memref<2x128x384xf32, #tpu.memory_space<vmem>> -> memref<1x128x384xf32, #tpu.memory_space<vmem>>
    %dma_start3A_203 = tpu.memref_squeeze %dma_start3A_202 : memref<1x128x384xf32, #tpu.memory_space<vmem>> -> memref<128x384xf32, #tpu.memory_space<vmem>>
    %dma_start3A_204 = arith.constant 0 : i32
    %dma_start3A_205 = tpu.memref_slice %arg6[%add3A_198, %dma_start3A_204] : memref<16384x768xf32, #tpu.memory_space<hbm>> -> memref<128x384xf32, #tpu.memory_space<hbm>>
    %dma_start3A_206 = arith.constant 0 : i32
    %dma_start3A_207 = tpu.memref_slice %arg6[%add3A_198, %dma_start3A_206] : memref<16384x768xf32, #tpu.memory_space<hbm>> -> memref<128x384xf32, #tpu.memory_space<hbm>>
    %dma_start3A_208 = arith.constant 0 : i32
    %dma_start3A_209 = arith.constant 0 : i32
    %dma_start3A_210 = tpu.memref_slice %arg8[%dma_start3A_199, %dma_start3A_208, %dma_start3A_209] : memref<2x128x384xf32, #tpu.memory_space<vmem>> -> memref<1x128x384xf32, #tpu.memory_space<vmem>>
    %dma_start3A_211 = tpu.memref_squeeze %dma_start3A_210 : memref<1x128x384xf32, #tpu.memory_space<vmem>> -> memref<128x384xf32, #tpu.memory_space<vmem>>
    tpu.enqueue_dma source(%dma_start3A_211 : memref<128x384xf32, #tpu.memory_space<vmem>>) target(%dma_start3A_207 : memref<128x384xf32, #tpu.memory_space<hbm>>) target_semaphore(%arg10 : memref<!tpu.dma_semaphore, #tpu.memory_space<semaphore_mem>>)
    %dma_wait3A_212 = arith.constant 0 : i32
    %dma_wait3A_213 = arith.constant 0 : i32
    %dma_wait3A_214 = arith.constant 0 : i32
    %dma_wait3A_215 = tpu.memref_slice %arg8[%dma_wait3A_212, %dma_wait3A_213, %dma_wait3A_214] : memref<2x128x384xf32, #tpu.memory_space<vmem>> -> memref<1x128x384xf32, #tpu.memory_space<vmem>>
    %dma_wait3A_216 = tpu.memref_squeeze %dma_wait3A_215 : memref<1x128x384xf32, #tpu.memory_space<vmem>> -> memref<128x384xf32, #tpu.memory_space<vmem>>
    %dma_wait3A_217 = arith.constant 0 : i32
    %dma_wait3A_218 = tpu.memref_slice %arg6[%add3A_198, %dma_wait3A_217] : memref<16384x768xf32, #tpu.memory_space<hbm>> -> memref<128x384xf32, #tpu.memory_space<hbm>>
    %dma_wait3A_219 = arith.constant 0 : i32
    %dma_wait3A_220 = tpu.memref_slice %arg6[%add3A_198, %dma_wait3A_219] : memref<16384x768xf32, #tpu.memory_space<hbm>> -> memref<128x384xf32, #tpu.memory_space<hbm>>
    %dma_wait3A_221 = arith.constant 0 : i32
    %dma_wait3A_222 = arith.constant 0 : i32
    %dma_wait3A_223 = tpu.memref_slice %arg8[%dma_wait3A_212, %dma_wait3A_221, %dma_wait3A_222] : memref<2x128x384xf32, #tpu.memory_space<vmem>> -> memref<1x128x384xf32, #tpu.memory_space<vmem>>
    %dma_wait3A_224 = tpu.memref_squeeze %dma_wait3A_223 : memref<1x128x384xf32, #tpu.memory_space<vmem>> -> memref<128x384xf32, #tpu.memory_space<vmem>>
    tpu.wait_dma2 semaphore(%arg10 : memref<!tpu.dma_semaphore, #tpu.memory_space<semaphore_mem>>) src(%dma_wait3A_224 : memref<128x384xf32, #tpu.memory_space<vmem>>) dst(%dma_wait3A_220 : memref<128x384xf32, #tpu.memory_space<hbm>>)
    %dma_start3A_225 = arith.constant 2 : i32
    %dma_start3A_226 = arith.constant 0 : i32
    %dma_start3A_227 = arith.constant 0 : i32
    %dma_start3A_228 = arith.constant 0 : i32
    %dma_start3A_229 = tpu.memref_slice %arg8[%dma_start3A_226, %dma_start3A_227, %dma_start3A_228] : memref<2x128x384xf32, #tpu.memory_space<vmem>> -> memref<1x128x384xf32, #tpu.memory_space<vmem>>
    %dma_start3A_230 = tpu.memref_squeeze %dma_start3A_229 : memref<1x128x384xf32, #tpu.memory_space<vmem>> -> memref<128x384xf32, #tpu.memory_space<vmem>>
    %dma_start3A_231 = arith.constant 0 : i32
    %dma_start3A_232 = tpu.memref_slice %arg7[%dma_start3A_225, %dma_start3A_231] : memref<8x128xi32, #tpu.memory_space<vmem>> -> memref<1x128xi32, #tpu.memory_space<vmem>>
    %dma_start3A_233 = tpu.memref_squeeze %dma_start3A_232 : memref<1x128xi32, #tpu.memory_space<vmem>> -> memref<128xi32, #tpu.memory_space<vmem>>
    %dma_start3A_234 = arith.constant 0 : i32
    %dma_start3A_235 = arith.constant 0 : i32
    %dma_start3A_236 = tpu.memref_slice %arg4[%dma_start3A_234, %dma_start3A_235] : memref<100000x300xf32, #tpu.memory_space<hbm>> -> memref<100000x384xf32, #tpu.memory_space<hbm>>
    tpu.enqueue_indirect_dma source(%dma_start3A_236 : memref<100000x384xf32, #tpu.memory_space<hbm>>) target(%dma_start3A_230 : memref<128x384xf32, #tpu.memory_space<vmem>>) offsets(%dma_start3A_233 : memref<128xi32, #tpu.memory_space<vmem>>) semaphore(%arg9 : memref<!tpu.dma_semaphore, #tpu.memory_space<semaphore_mem>>)
    %dma_wait3A_237 = arith.constant 1 : i32
    %dma_wait3A_238 = arith.constant 1 : i32
    %dma_wait3A_239 = arith.constant 0 : i32
    %dma_wait3A_240 = arith.constant 0 : i32
    %dma_wait3A_241 = tpu.memref_slice %arg8[%dma_wait3A_238, %dma_wait3A_239, %dma_wait3A_240] : memref<2x128x384xf32, #tpu.memory_space<vmem>> -> memref<1x128x384xf32, #tpu.memory_space<vmem>>
    %dma_wait3A_242 = tpu.memref_squeeze %dma_wait3A_241 : memref<1x128x384xf32, #tpu.memory_space<vmem>> -> memref<128x384xf32, #tpu.memory_space<vmem>>
    %dma_wait3A_243 = arith.constant 0 : i32
    %dma_wait3A_244 = tpu.memref_slice %arg7[%dma_wait3A_237, %dma_wait3A_243] : memref<8x128xi32, #tpu.memory_space<vmem>> -> memref<1x128xi32, #tpu.memory_space<vmem>>
    %dma_wait3A_245 = tpu.memref_squeeze %dma_wait3A_244 : memref<1x128xi32, #tpu.memory_space<vmem>> -> memref<128xi32, #tpu.memory_space<vmem>>
    %dma_wait3A_246 = arith.constant 0 : i32
    %dma_wait3A_247 = arith.constant 0 : i32
    %dma_wait3A_248 = tpu.memref_slice %arg4[%dma_wait3A_246, %dma_wait3A_247] : memref<100000x300xf32, #tpu.memory_space<hbm>> -> memref<100000x384xf32, #tpu.memory_space<hbm>>
    tpu.wait_indirect_dma semaphore(%arg9 : memref<!tpu.dma_semaphore, #tpu.memory_space<semaphore_mem>>) src(%dma_wait3A_248 : memref<100000x384xf32, #tpu.memory_space<hbm>>) dst(%dma_wait3A_242 : memref<128x384xf32, #tpu.memory_space<vmem>>)
    %add3A_249 = arith.constant 128 : i32
    %add3A_250 = arith.addi %mul3A_2, %add3A_249 : i32
    %dma_start3A_251 = arith.constant 1 : i32
    %dma_start3A_252 = arith.constant 0 : i32
    %dma_start3A_253 = arith.constant 0 : i32
    %dma_start3A_254 = tpu.memref_slice %arg8[%dma_start3A_251, %dma_start3A_252, %dma_start3A_253] : memref<2x128x384xf32, #tpu.memory_space<vmem>> -> memref<1x128x384xf32, #tpu.memory_space<vmem>>
    %dma_start3A_255 = tpu.memref_squeeze %dma_start3A_254 : memref<1x128x384xf32, #tpu.memory_space<vmem>> -> memref<128x384xf32, #tpu.memory_space<vmem>>
    %dma_start3A_256 = arith.constant 0 : i32
    %dma_start3A_257 = tpu.memref_slice %arg6[%add3A_250, %dma_start3A_256] : memref<16384x768xf32, #tpu.memory_space<hbm>> -> memref<128x384xf32, #tpu.memory_space<hbm>>
    %dma_start3A_258 = arith.constant 0 : i32
    %dma_start3A_259 = tpu.memref_slice %arg6[%add3A_250, %dma_start3A_258] : memref<16384x768xf32, #tpu.memory_space<hbm>> -> memref<128x384xf32, #tpu.memory_space<hbm>>
    %dma_start3A_260 = arith.constant 0 : i32
    %dma_start3A_261 = arith.constant 0 : i32
    %dma_start3A_262 = tpu.memref_slice %arg8[%dma_start3A_251, %dma_start3A_260, %dma_start3A_261] : memref<2x128x384xf32, #tpu.memory_space<vmem>> -> memref<1x128x384xf32, #tpu.memory_space<vmem>>
    %dma_start3A_263 = tpu.memref_squeeze %dma_start3A_262 : memref<1x128x384xf32, #tpu.memory_space<vmem>> -> memref<128x384xf32, #tpu.memory_space<vmem>>
    tpu.enqueue_dma source(%dma_start3A_263 : memref<128x384xf32, #tpu.memory_space<vmem>>) target(%dma_start3A_259 : memref<128x384xf32, #tpu.memory_space<hbm>>) target_semaphore(%arg10 : memref<!tpu.dma_semaphore, #tpu.memory_space<semaphore_mem>>)
    %dma_wait3A_264 = arith.constant 1 : i32
    %dma_wait3A_265 = arith.constant 0 : i32
    %dma_wait3A_266 = arith.constant 0 : i32
    %dma_wait3A_267 = tpu.memref_slice %arg8[%dma_wait3A_264, %dma_wait3A_265, %dma_wait3A_266] : memref<2x128x384xf32, #tpu.memory_space<vmem>> -> memref<1x128x384xf32, #tpu.memory_space<vmem>>
    %dma_wait3A_268 = tpu.memref_squeeze %dma_wait3A_267 : memref<1x128x384xf32, #tpu.memory_space<vmem>> -> memref<128x384xf32, #tpu.memory_space<vmem>>
    %dma_wait3A_269 = arith.constant 0 : i32
    %dma_wait3A_270 = tpu.memref_slice %arg6[%add3A_250, %dma_wait3A_269] : memref<16384x768xf32, #tpu.memory_space<hbm>> -> memref<128x384xf32, #tpu.memory_space<hbm>>
    %dma_wait3A_271 = arith.constant 0 : i32
    %dma_wait3A_272 = tpu.memref_slice %arg6[%add3A_250, %dma_wait3A_271] : memref<16384x768xf32, #tpu.memory_space<hbm>> -> memref<128x384xf32, #tpu.memory_space<hbm>>
    %dma_wait3A_273 = arith.constant 0 : i32
    %dma_wait3A_274 = arith.constant 0 : i32
    %dma_wait3A_275 = tpu.memref_slice %arg8[%dma_wait3A_264, %dma_wait3A_273, %dma_wait3A_274] : memref<2x128x384xf32, #tpu.memory_space<vmem>> -> memref<1x128x384xf32, #tpu.memory_space<vmem>>
    %dma_wait3A_276 = tpu.memref_squeeze %dma_wait3A_275 : memref<1x128x384xf32, #tpu.memory_space<vmem>> -> memref<128x384xf32, #tpu.memory_space<vmem>>
    tpu.wait_dma2 semaphore(%arg10 : memref<!tpu.dma_semaphore, #tpu.memory_space<semaphore_mem>>) src(%dma_wait3A_276 : memref<128x384xf32, #tpu.memory_space<vmem>>) dst(%dma_wait3A_272 : memref<128x384xf32, #tpu.memory_space<hbm>>)
    %dma_start3A_277 = arith.constant 3 : i32
    %dma_start3A_278 = arith.constant 1 : i32
    %dma_start3A_279 = arith.constant 0 : i32
    %dma_start3A_280 = arith.constant 0 : i32
    %dma_start3A_281 = tpu.memref_slice %arg8[%dma_start3A_278, %dma_start3A_279, %dma_start3A_280] : memref<2x128x384xf32, #tpu.memory_space<vmem>> -> memref<1x128x384xf32, #tpu.memory_space<vmem>>
    %dma_start3A_282 = tpu.memref_squeeze %dma_start3A_281 : memref<1x128x384xf32, #tpu.memory_space<vmem>> -> memref<128x384xf32, #tpu.memory_space<vmem>>
    %dma_start3A_283 = arith.constant 0 : i32
    %dma_start3A_284 = tpu.memref_slice %arg7[%dma_start3A_277, %dma_start3A_283] : memref<8x128xi32, #tpu.memory_space<vmem>> -> memref<1x128xi32, #tpu.memory_space<vmem>>
    %dma_start3A_285 = tpu.memref_squeeze %dma_start3A_284 : memref<1x128xi32, #tpu.memory_space<vmem>> -> memref<128xi32, #tpu.memory_space<vmem>>
    %dma_start3A_286 = arith.constant 0 : i32
    %dma_start3A_287 = arith.constant 0 : i32
    %dma_start3A_288 = tpu.memref_slice %arg4[%dma_start3A_286, %dma_start3A_287] : memref<100000x300xf32, #tpu.memory_space<hbm>> -> memref<100000x384xf32, #tpu.memory_space<hbm>>
    tpu.enqueue_indirect_dma source(%dma_start3A_288 : memref<100000x384xf32, #tpu.memory_space<hbm>>) target(%dma_start3A_282 : memref<128x384xf32, #tpu.memory_space<vmem>>) offsets(%dma_start3A_285 : memref<128xi32, #tpu.memory_space<vmem>>) semaphore(%arg9 : memref<!tpu.dma_semaphore, #tpu.memory_space<semaphore_mem>>)
    %dma_wait3A_289 = arith.constant 2 : i32
    %dma_wait3A_290 = arith.constant 0 : i32
    %dma_wait3A_291 = arith.constant 0 : i32
    %dma_wait3A_292 = arith.constant 0 : i32
    %dma_wait3A_293 = tpu.memref_slice %arg8[%dma_wait3A_290, %dma_wait3A_291, %dma_wait3A_292] : memref<2x128x384xf32, #tpu.memory_space<vmem>> -> memref<1x128x384xf32, #tpu.memory_space<vmem>>
    %dma_wait3A_294 = tpu.memref_squeeze %dma_wait3A_293 : memref<1x128x384xf32, #tpu.memory_space<vmem>> -> memref<128x384xf32, #tpu.memory_space<vmem>>
    %dma_wait3A_295 = arith.constant 0 : i32
    %dma_wait3A_296 = tpu.memref_slice %arg7[%dma_wait3A_289, %dma_wait3A_295] : memref<8x128xi32, #tpu.memory_space<vmem>> -> memref<1x128xi32, #tpu.memory_space<vmem>>
    %dma_wait3A_297 = tpu.memref_squeeze %dma_wait3A_296 : memref<1x128xi32, #tpu.memory_space<vmem>> -> memref<128xi32, #tpu.memory_space<vmem>>
    %dma_wait3A_298 = arith.constant 0 : i32
    %dma_wait3A_299 = arith.constant 0 : i32
    %dma_wait3A_300 = tpu.memref_slice %arg4[%dma_wait3A_298, %dma_wait3A_299] : memref<100000x300xf32, #tpu.memory_space<hbm>> -> memref<100000x384xf32, #tpu.memory_space<hbm>>
    tpu.wait_indirect_dma semaphore(%arg9 : memref<!tpu.dma_semaphore, #tpu.memory_space<semaphore_mem>>) src(%dma_wait3A_300 : memref<100000x384xf32, #tpu.memory_space<hbm>>) dst(%dma_wait3A_294 : memref<128x384xf32, #tpu.memory_space<vmem>>)
    %add3A_301 = arith.constant 256 : i32
    %add3A_302 = arith.addi %mul3A_2, %add3A_301 : i32
    %dma_start3A_303 = arith.constant 0 : i32
    %dma_start3A_304 = arith.constant 0 : i32
    %dma_start3A_305 = arith.constant 0 : i32
    %dma_start3A_306 = tpu.memref_slice %arg8[%dma_start3A_303, %dma_start3A_304, %dma_start3A_305] : memref<2x128x384xf32, #tpu.memory_space<vmem>> -> memref<1x128x384xf32, #tpu.memory_space<vmem>>
    %dma_start3A_307 = tpu.memref_squeeze %dma_start3A_306 : memref<1x128x384xf32, #tpu.memory_space<vmem>> -> memref<128x384xf32, #tpu.memory_space<vmem>>
    %dma_start3A_308 = arith.constant 0 : i32
    %dma_start3A_309 = tpu.memref_slice %arg6[%add3A_302, %dma_start3A_308] : memref<16384x768xf32, #tpu.memory_space<hbm>> -> memref<128x384xf32, #tpu.memory_space<hbm>>
    %dma_start3A_310 = arith.constant 0 : i32
    %dma_start3A_311 = tpu.memref_slice %arg6[%add3A_302, %dma_start3A_310] : memref<16384x768xf32, #tpu.memory_space<hbm>> -> memref<128x384xf32, #tpu.memory_space<hbm>>
    %dma_start3A_312 = arith.constant 0 : i32
    %dma_start3A_313 = arith.constant 0 : i32
    %dma_start3A_314 = tpu.memref_slice %arg8[%dma_start3A_303, %dma_start3A_312, %dma_start3A_313] : memref<2x128x384xf32, #tpu.memory_space<vmem>> -> memref<1x128x384xf32, #tpu.memory_space<vmem>>
    %dma_start3A_315 = tpu.memref_squeeze %dma_start3A_314 : memref<1x128x384xf32, #tpu.memory_space<vmem>> -> memref<128x384xf32, #tpu.memory_space<vmem>>
    tpu.enqueue_dma source(%dma_start3A_315 : memref<128x384xf32, #tpu.memory_space<vmem>>) target(%dma_start3A_311 : memref<128x384xf32, #tpu.memory_space<hbm>>) target_semaphore(%arg10 : memref<!tpu.dma_semaphore, #tpu.memory_space<semaphore_mem>>)
    %dma_wait3A_316 = arith.constant 0 : i32
    %dma_wait3A_317 = arith.constant 0 : i32
    %dma_wait3A_318 = arith.constant 0 : i32
    %dma_wait3A_319 = tpu.memref_slice %arg8[%dma_wait3A_316, %dma_wait3A_317, %dma_wait3A_318] : memref<2x128x384xf32, #tpu.memory_space<vmem>> -> memref<1x128x384xf32, #tpu.memory_space<vmem>>
    %dma_wait3A_320 = tpu.memref_squeeze %dma_wait3A_319 : memref<1x128x384xf32, #tpu.memory_space<vmem>> -> memref<128x384xf32, #tpu.memory_space<vmem>>
    %dma_wait3A_321 = arith.constant 0 : i32
    %dma_wait3A_322 = tpu.memref_slice %arg6[%add3A_302, %dma_wait3A_321] : memref<16384x768xf32, #tpu.memory_space<hbm>> -> memref<128x384xf32, #tpu.memory_space<hbm>>
    %dma_wait3A_323 = arith.constant 0 : i32
    %dma_wait3A_324 = tpu.memref_slice %arg6[%add3A_302, %dma_wait3A_323] : memref<16384x768xf32, #tpu.memory_space<hbm>> -> memref<128x384xf32, #tpu.memory_space<hbm>>
    %dma_wait3A_325 = arith.constant 0 : i32
    %dma_wait3A_326 = arith.constant 0 : i32
    %dma_wait3A_327 = tpu.memref_slice %arg8[%dma_wait3A_316, %dma_wait3A_325, %dma_wait3A_326] : memref<2x128x384xf32, #tpu.memory_space<vmem>> -> memref<1x128x384xf32, #tpu.memory_space<vmem>>
    %dma_wait3A_328 = tpu.memref_squeeze %dma_wait3A_327 : memref<1x128x384xf32, #tpu.memory_space<vmem>> -> memref<128x384xf32, #tpu.memory_space<vmem>>
    tpu.wait_dma2 semaphore(%arg10 : memref<!tpu.dma_semaphore, #tpu.memory_space<semaphore_mem>>) src(%dma_wait3A_328 : memref<128x384xf32, #tpu.memory_space<vmem>>) dst(%dma_wait3A_324 : memref<128x384xf32, #tpu.memory_space<hbm>>)
    %dma_start3A_329 = arith.constant 4 : i32
    %dma_start3A_330 = arith.constant 0 : i32
    %dma_start3A_331 = arith.constant 0 : i32
    %dma_start3A_332 = arith.constant 0 : i32
    %dma_start3A_333 = tpu.memref_slice %arg8[%dma_start3A_330, %dma_start3A_331, %dma_start3A_332] : memref<2x128x384xf32, #tpu.memory_space<vmem>> -> memref<1x128x384xf32, #tpu.memory_space<vmem>>
    %dma_start3A_334 = tpu.memref_squeeze %dma_start3A_333 : memref<1x128x384xf32, #tpu.memory_space<vmem>> -> memref<128x384xf32, #tpu.memory_space<vmem>>
    %dma_start3A_335 = arith.constant 0 : i32
    %dma_start3A_336 = tpu.memref_slice %arg7[%dma_start3A_329, %dma_start3A_335] : memref<8x128xi32, #tpu.memory_space<vmem>> -> memref<1x128xi32, #tpu.memory_space<vmem>>
    %dma_start3A_337 = tpu.memref_squeeze %dma_start3A_336 : memref<1x128xi32, #tpu.memory_space<vmem>> -> memref<128xi32, #tpu.memory_space<vmem>>
    %dma_start3A_338 = arith.constant 0 : i32
    %dma_start3A_339 = arith.constant 0 : i32
    %dma_start3A_340 = tpu.memref_slice %arg5[%dma_start3A_338, %dma_start3A_339] : memref<100000x300xf32, #tpu.memory_space<hbm>> -> memref<100000x384xf32, #tpu.memory_space<hbm>>
    tpu.enqueue_indirect_dma source(%dma_start3A_340 : memref<100000x384xf32, #tpu.memory_space<hbm>>) target(%dma_start3A_334 : memref<128x384xf32, #tpu.memory_space<vmem>>) offsets(%dma_start3A_337 : memref<128xi32, #tpu.memory_space<vmem>>) semaphore(%arg9 : memref<!tpu.dma_semaphore, #tpu.memory_space<semaphore_mem>>)
    %dma_wait3A_341 = arith.constant 3 : i32
    %dma_wait3A_342 = arith.constant 1 : i32
    %dma_wait3A_343 = arith.constant 0 : i32
    %dma_wait3A_344 = arith.constant 0 : i32
    %dma_wait3A_345 = tpu.memref_slice %arg8[%dma_wait3A_342, %dma_wait3A_343, %dma_wait3A_344] : memref<2x128x384xf32, #tpu.memory_space<vmem>> -> memref<1x128x384xf32, #tpu.memory_space<vmem>>
    %dma_wait3A_346 = tpu.memref_squeeze %dma_wait3A_345 : memref<1x128x384xf32, #tpu.memory_space<vmem>> -> memref<128x384xf32, #tpu.memory_space<vmem>>
    %dma_wait3A_347 = arith.constant 0 : i32
    %dma_wait3A_348 = tpu.memref_slice %arg7[%dma_wait3A_341, %dma_wait3A_347] : memref<8x128xi32, #tpu.memory_space<vmem>> -> memref<1x128xi32, #tpu.memory_space<vmem>>
    %dma_wait3A_349 = tpu.memref_squeeze %dma_wait3A_348 : memref<1x128xi32, #tpu.memory_space<vmem>> -> memref<128xi32, #tpu.memory_space<vmem>>
    %dma_wait3A_350 = arith.constant 0 : i32
    %dma_wait3A_351 = arith.constant 0 : i32
    %dma_wait3A_352 = tpu.memref_slice %arg4[%dma_wait3A_350, %dma_wait3A_351] : memref<100000x300xf32, #tpu.memory_space<hbm>> -> memref<100000x384xf32, #tpu.memory_space<hbm>>
    tpu.wait_indirect_dma semaphore(%arg9 : memref<!tpu.dma_semaphore, #tpu.memory_space<semaphore_mem>>) src(%dma_wait3A_352 : memref<100000x384xf32, #tpu.memory_space<hbm>>) dst(%dma_wait3A_346 : memref<128x384xf32, #tpu.memory_space<vmem>>)
    %add3A_353 = arith.constant 384 : i32
    %add3A_354 = arith.addi %mul3A_2, %add3A_353 : i32
    %dma_start3A_355 = arith.constant 1 : i32
    %dma_start3A_356 = arith.constant 0 : i32
    %dma_start3A_357 = arith.constant 0 : i32
    %dma_start3A_358 = tpu.memref_slice %arg8[%dma_start3A_355, %dma_start3A_356, %dma_start3A_357] : memref<2x128x384xf32, #tpu.memory_space<vmem>> -> memref<1x128x384xf32, #tpu.memory_space<vmem>>
    %dma_start3A_359 = tpu.memref_squeeze %dma_start3A_358 : memref<1x128x384xf32, #tpu.memory_space<vmem>> -> memref<128x384xf32, #tpu.memory_space<vmem>>
    %dma_start3A_360 = arith.constant 0 : i32
    %dma_start3A_361 = tpu.memref_slice %arg6[%add3A_354, %dma_start3A_360] : memref<16384x768xf32, #tpu.memory_space<hbm>> -> memref<128x384xf32, #tpu.memory_space<hbm>>
    %dma_start3A_362 = arith.constant 0 : i32
    %dma_start3A_363 = tpu.memref_slice %arg6[%add3A_354, %dma_start3A_362] : memref<16384x768xf32, #tpu.memory_space<hbm>> -> memref<128x384xf32, #tpu.memory_space<hbm>>
    %dma_start3A_364 = arith.constant 0 : i32
    %dma_start3A_365 = arith.constant 0 : i32
    %dma_start3A_366 = tpu.memref_slice %arg8[%dma_start3A_355, %dma_start3A_364, %dma_start3A_365] : memref<2x128x384xf32, #tpu.memory_space<vmem>> -> memref<1x128x384xf32, #tpu.memory_space<vmem>>
    %dma_start3A_367 = tpu.memref_squeeze %dma_start3A_366 : memref<1x128x384xf32, #tpu.memory_space<vmem>> -> memref<128x384xf32, #tpu.memory_space<vmem>>
    tpu.enqueue_dma source(%dma_start3A_367 : memref<128x384xf32, #tpu.memory_space<vmem>>) target(%dma_start3A_363 : memref<128x384xf32, #tpu.memory_space<hbm>>) target_semaphore(%arg10 : memref<!tpu.dma_semaphore, #tpu.memory_space<semaphore_mem>>)
    %dma_wait3A_368 = arith.constant 1 : i32
    %dma_wait3A_369 = arith.constant 0 : i32
    %dma_wait3A_370 = arith.constant 0 : i32
    %dma_wait3A_371 = tpu.memref_slice %arg8[%dma_wait3A_368, %dma_wait3A_369, %dma_wait3A_370] : memref<2x128x384xf32, #tpu.memory_space<vmem>> -> memref<1x128x384xf32, #tpu.memory_space<vmem>>
    %dma_wait3A_372 = tpu.memref_squeeze %dma_wait3A_371 : memref<1x128x384xf32, #tpu.memory_space<vmem>> -> memref<128x384xf32, #tpu.memory_space<vmem>>
    %dma_wait3A_373 = arith.constant 0 : i32
    %dma_wait3A_374 = tpu.memref_slice %arg6[%add3A_354, %dma_wait3A_373] : memref<16384x768xf32, #tpu.memory_space<hbm>> -> memref<128x384xf32, #tpu.memory_space<hbm>>
    %dma_wait3A_375 = arith.constant 0 : i32
    %dma_wait3A_376 = tpu.memref_slice %arg6[%add3A_354, %dma_wait3A_375] : memref<16384x768xf32, #tpu.memory_space<hbm>> -> memref<128x384xf32, #tpu.memory_space<hbm>>
    %dma_wait3A_377 = arith.constant 0 : i32
    %dma_wait3A_378 = arith.constant 0 : i32
    %dma_wait3A_379 = tpu.memref_slice %arg8[%dma_wait3A_368, %dma_wait3A_377, %dma_wait3A_378] : memref<2x128x384xf32, #tpu.memory_space<vmem>> -> memref<1x128x384xf32, #tpu.memory_space<vmem>>
    %dma_wait3A_380 = tpu.memref_squeeze %dma_wait3A_379 : memref<1x128x384xf32, #tpu.memory_space<vmem>> -> memref<128x384xf32, #tpu.memory_space<vmem>>
    tpu.wait_dma2 semaphore(%arg10 : memref<!tpu.dma_semaphore, #tpu.memory_space<semaphore_mem>>) src(%dma_wait3A_380 : memref<128x384xf32, #tpu.memory_space<vmem>>) dst(%dma_wait3A_376 : memref<128x384xf32, #tpu.memory_space<hbm>>)
    %dma_start3A_381 = arith.constant 5 : i32
    %dma_start3A_382 = arith.constant 1 : i32
    %dma_start3A_383 = arith.constant 0 : i32
    %dma_start3A_384 = arith.constant 0 : i32
    %dma_start3A_385 = tpu.memref_slice %arg8[%dma_start3A_382, %dma_start3A_383, %dma_start3A_384] : memref<2x128x384xf32, #tpu.memory_space<vmem>> -> memref<1x128x384xf32, #tpu.memory_space<vmem>>
    %dma_start3A_386 = tpu.memref_squeeze %dma_start3A_385 : memref<1x128x384xf32, #tpu.memory_space<vmem>> -> memref<128x384xf32, #tpu.memory_space<vmem>>
    %dma_start3A_387 = arith.constant 0 : i32
    %dma_start3A_388 = tpu.memref_slice %arg7[%dma_start3A_381, %dma_start3A_387] : memref<8x128xi32, #tpu.memory_space<vmem>> -> memref<1x128xi32, #tpu.memory_space<vmem>>
    %dma_start3A_389 = tpu.memref_squeeze %dma_start3A_388 : memref<1x128xi32, #tpu.memory_space<vmem>> -> memref<128xi32, #tpu.memory_space<vmem>>
    %dma_start3A_390 = arith.constant 0 : i32
    %dma_start3A_391 = arith.constant 0 : i32
    %dma_start3A_392 = tpu.memref_slice %arg5[%dma_start3A_390, %dma_start3A_391] : memref<100000x300xf32, #tpu.memory_space<hbm>> -> memref<100000x384xf32, #tpu.memory_space<hbm>>
    tpu.enqueue_indirect_dma source(%dma_start3A_392 : memref<100000x384xf32, #tpu.memory_space<hbm>>) target(%dma_start3A_386 : memref<128x384xf32, #tpu.memory_space<vmem>>) offsets(%dma_start3A_389 : memref<128xi32, #tpu.memory_space<vmem>>) semaphore(%arg9 : memref<!tpu.dma_semaphore, #tpu.memory_space<semaphore_mem>>)
    %dma_wait3A_393 = arith.constant 4 : i32
    %dma_wait3A_394 = arith.constant 0 : i32
    %dma_wait3A_395 = arith.constant 0 : i32
    %dma_wait3A_396 = arith.constant 0 : i32
    %dma_wait3A_397 = tpu.memref_slice %arg8[%dma_wait3A_394, %dma_wait3A_395, %dma_wait3A_396] : memref<2x128x384xf32, #tpu.memory_space<vmem>> -> memref<1x128x384xf32, #tpu.memory_space<vmem>>
    %dma_wait3A_398 = tpu.memref_squeeze %dma_wait3A_397 : memref<1x128x384xf32, #tpu.memory_space<vmem>> -> memref<128x384xf32, #tpu.memory_space<vmem>>
    %dma_wait3A_399 = arith.constant 0 : i32
    %dma_wait3A_400 = tpu.memref_slice %arg7[%dma_wait3A_393, %dma_wait3A_399] : memref<8x128xi32, #tpu.memory_space<vmem>> -> memref<1x128xi32, #tpu.memory_space<vmem>>
    %dma_wait3A_401 = tpu.memref_squeeze %dma_wait3A_400 : memref<1x128xi32, #tpu.memory_space<vmem>> -> memref<128xi32, #tpu.memory_space<vmem>>
    %dma_wait3A_402 = arith.constant 0 : i32
    %dma_wait3A_403 = arith.constant 0 : i32
    %dma_wait3A_404 = tpu.memref_slice %arg5[%dma_wait3A_402, %dma_wait3A_403] : memref<100000x300xf32, #tpu.memory_space<hbm>> -> memref<100000x384xf32, #tpu.memory_space<hbm>>
    tpu.wait_indirect_dma semaphore(%arg9 : memref<!tpu.dma_semaphore, #tpu.memory_space<semaphore_mem>>) src(%dma_wait3A_404 : memref<100000x384xf32, #tpu.memory_space<hbm>>) dst(%dma_wait3A_398 : memref<128x384xf32, #tpu.memory_space<vmem>>)
    %add3A_405 = arith.constant 0 : i32
    %add3A_406 = arith.addi %mul3A_2, %add3A_405 : i32
    %dma_start3A_407 = arith.constant 0 : i32
    %dma_start3A_408 = arith.constant 0 : i32
    %dma_start3A_409 = arith.constant 0 : i32
    %dma_start3A_410 = tpu.memref_slice %arg8[%dma_start3A_407, %dma_start3A_408, %dma_start3A_409] : memref<2x128x384xf32, #tpu.memory_space<vmem>> -> memref<1x128x384xf32, #tpu.memory_space<vmem>>
    %dma_start3A_411 = tpu.memref_squeeze %dma_start3A_410 : memref<1x128x384xf32, #tpu.memory_space<vmem>> -> memref<128x384xf32, #tpu.memory_space<vmem>>
    %dma_start3A_412 = arith.constant 384 : i32
    %dma_start3A_413 = tpu.memref_slice %arg6[%add3A_406, %dma_start3A_412] : memref<16384x768xf32, #tpu.memory_space<hbm>> -> memref<128x384xf32, #tpu.memory_space<hbm>>
    %dma_start3A_414 = arith.constant 384 : i32
    %dma_start3A_415 = tpu.memref_slice %arg6[%add3A_406, %dma_start3A_414] : memref<16384x768xf32, #tpu.memory_space<hbm>> -> memref<128x384xf32, #tpu.memory_space<hbm>>
    %dma_start3A_416 = arith.constant 0 : i32
    %dma_start3A_417 = arith.constant 0 : i32
    %dma_start3A_418 = tpu.memref_slice %arg8[%dma_start3A_407, %dma_start3A_416, %dma_start3A_417] : memref<2x128x384xf32, #tpu.memory_space<vmem>> -> memref<1x128x384xf32, #tpu.memory_space<vmem>>
    %dma_start3A_419 = tpu.memref_squeeze %dma_start3A_418 : memref<1x128x384xf32, #tpu.memory_space<vmem>> -> memref<128x384xf32, #tpu.memory_space<vmem>>
    tpu.enqueue_dma source(%dma_start3A_419 : memref<128x384xf32, #tpu.memory_space<vmem>>) target(%dma_start3A_415 : memref<128x384xf32, #tpu.memory_space<hbm>>) target_semaphore(%arg10 : memref<!tpu.dma_semaphore, #tpu.memory_space<semaphore_mem>>)
    %dma_wait3A_420 = arith.constant 0 : i32
    %dma_wait3A_421 = arith.constant 0 : i32
    %dma_wait3A_422 = arith.constant 0 : i32
    %dma_wait3A_423 = tpu.memref_slice %arg8[%dma_wait3A_420, %dma_wait3A_421, %dma_wait3A_422] : memref<2x128x384xf32, #tpu.memory_space<vmem>> -> memref<1x128x384xf32, #tpu.memory_space<vmem>>
    %dma_wait3A_424 = tpu.memref_squeeze %dma_wait3A_423 : memref<1x128x384xf32, #tpu.memory_space<vmem>> -> memref<128x384xf32, #tpu.memory_space<vmem>>
    %dma_wait3A_425 = arith.constant 384 : i32
    %dma_wait3A_426 = tpu.memref_slice %arg6[%add3A_406, %dma_wait3A_425] : memref<16384x768xf32, #tpu.memory_space<hbm>> -> memref<128x384xf32, #tpu.memory_space<hbm>>
    %dma_wait3A_427 = arith.constant 384 : i32
    %dma_wait3A_428 = tpu.memref_slice %arg6[%add3A_406, %dma_wait3A_427] : memref<16384x768xf32, #tpu.memory_space<hbm>> -> memref<128x384xf32, #tpu.memory_space<hbm>>
    %dma_wait3A_429 = arith.constant 0 : i32
    %dma_wait3A_430 = arith.constant 0 : i32
    %dma_wait3A_431 = tpu.memref_slice %arg8[%dma_wait3A_420, %dma_wait3A_429, %dma_wait3A_430] : memref<2x128x384xf32, #tpu.memory_space<vmem>> -> memref<1x128x384xf32, #tpu.memory_space<vmem>>
    %dma_wait3A_432 = tpu.memref_squeeze %dma_wait3A_431 : memref<1x128x384xf32, #tpu.memory_space<vmem>> -> memref<128x384xf32, #tpu.memory_space<vmem>>
    tpu.wait_dma2 semaphore(%arg10 : memref<!tpu.dma_semaphore, #tpu.memory_space<semaphore_mem>>) src(%dma_wait3A_432 : memref<128x384xf32, #tpu.memory_space<vmem>>) dst(%dma_wait3A_428 : memref<128x384xf32, #tpu.memory_space<hbm>>)
    %dma_start3A_433 = arith.constant 6 : i32
    %dma_start3A_434 = arith.constant 0 : i32
    %dma_start3A_435 = arith.constant 0 : i32
    %dma_start3A_436 = arith.constant 0 : i32
    %dma_start3A_437 = tpu.memref_slice %arg8[%dma_start3A_434, %dma_start3A_435, %dma_start3A_436] : memref<2x128x384xf32, #tpu.memory_space<vmem>> -> memref<1x128x384xf32, #tpu.memory_space<vmem>>
    %dma_start3A_438 = tpu.memref_squeeze %dma_start3A_437 : memref<1x128x384xf32, #tpu.memory_space<vmem>> -> memref<128x384xf32, #tpu.memory_space<vmem>>
    %dma_start3A_439 = arith.constant 0 : i32
    %dma_start3A_440 = tpu.memref_slice %arg7[%dma_start3A_433, %dma_start3A_439] : memref<8x128xi32, #tpu.memory_space<vmem>> -> memref<1x128xi32, #tpu.memory_space<vmem>>
    %dma_start3A_441 = tpu.memref_squeeze %dma_start3A_440 : memref<1x128xi32, #tpu.memory_space<vmem>> -> memref<128xi32, #tpu.memory_space<vmem>>
    %dma_start3A_442 = arith.constant 0 : i32
    %dma_start3A_443 = arith.constant 0 : i32
    %dma_start3A_444 = tpu.memref_slice %arg5[%dma_start3A_442, %dma_start3A_443] : memref<100000x300xf32, #tpu.memory_space<hbm>> -> memref<100000x384xf32, #tpu.memory_space<hbm>>
    tpu.enqueue_indirect_dma source(%dma_start3A_444 : memref<100000x384xf32, #tpu.memory_space<hbm>>) target(%dma_start3A_438 : memref<128x384xf32, #tpu.memory_space<vmem>>) offsets(%dma_start3A_441 : memref<128xi32, #tpu.memory_space<vmem>>) semaphore(%arg9 : memref<!tpu.dma_semaphore, #tpu.memory_space<semaphore_mem>>)
    %dma_wait3A_445 = arith.constant 5 : i32
    %dma_wait3A_446 = arith.constant 1 : i32
    %dma_wait3A_447 = arith.constant 0 : i32
    %dma_wait3A_448 = arith.constant 0 : i32
    %dma_wait3A_449 = tpu.memref_slice %arg8[%dma_wait3A_446, %dma_wait3A_447, %dma_wait3A_448] : memref<2x128x384xf32, #tpu.memory_space<vmem>> -> memref<1x128x384xf32, #tpu.memory_space<vmem>>
    %dma_wait3A_450 = tpu.memref_squeeze %dma_wait3A_449 : memref<1x128x384xf32, #tpu.memory_space<vmem>> -> memref<128x384xf32, #tpu.memory_space<vmem>>
    %dma_wait3A_451 = arith.constant 0 : i32
    %dma_wait3A_452 = tpu.memref_slice %arg7[%dma_wait3A_445, %dma_wait3A_451] : memref<8x128xi32, #tpu.memory_space<vmem>> -> memref<1x128xi32, #tpu.memory_space<vmem>>
    %dma_wait3A_453 = tpu.memref_squeeze %dma_wait3A_452 : memref<1x128xi32, #tpu.memory_space<vmem>> -> memref<128xi32, #tpu.memory_space<vmem>>
    %dma_wait3A_454 = arith.constant 0 : i32
    %dma_wait3A_455 = arith.constant 0 : i32
    %dma_wait3A_456 = tpu.memref_slice %arg5[%dma_wait3A_454, %dma_wait3A_455] : memref<100000x300xf32, #tpu.memory_space<hbm>> -> memref<100000x384xf32, #tpu.memory_space<hbm>>
    tpu.wait_indirect_dma semaphore(%arg9 : memref<!tpu.dma_semaphore, #tpu.memory_space<semaphore_mem>>) src(%dma_wait3A_456 : memref<100000x384xf32, #tpu.memory_space<hbm>>) dst(%dma_wait3A_450 : memref<128x384xf32, #tpu.memory_space<vmem>>)
    %add3A_457 = arith.constant 128 : i32
    %add3A_458 = arith.addi %mul3A_2, %add3A_457 : i32
    %dma_start3A_459 = arith.constant 1 : i32
    %dma_start3A_460 = arith.constant 0 : i32
    %dma_start3A_461 = arith.constant 0 : i32
    %dma_start3A_462 = tpu.memref_slice %arg8[%dma_start3A_459, %dma_start3A_460, %dma_start3A_461] : memref<2x128x384xf32, #tpu.memory_space<vmem>> -> memref<1x128x384xf32, #tpu.memory_space<vmem>>
    %dma_start3A_463 = tpu.memref_squeeze %dma_start3A_462 : memref<1x128x384xf32, #tpu.memory_space<vmem>> -> memref<128x384xf32, #tpu.memory_space<vmem>>
    %dma_start3A_464 = arith.constant 384 : i32
    %dma_start3A_465 = tpu.memref_slice %arg6[%add3A_458, %dma_start3A_464] : memref<16384x768xf32, #tpu.memory_space<hbm>> -> memref<128x384xf32, #tpu.memory_space<hbm>>
    %dma_start3A_466 = arith.constant 384 : i32
    %dma_start3A_467 = tpu.memref_slice %arg6[%add3A_458, %dma_start3A_466] : memref<16384x768xf32, #tpu.memory_space<hbm>> -> memref<128x384xf32, #tpu.memory_space<hbm>>
    %dma_start3A_468 = arith.constant 0 : i32
    %dma_start3A_469 = arith.constant 0 : i32
    %dma_start3A_470 = tpu.memref_slice %arg8[%dma_start3A_459, %dma_start3A_468, %dma_start3A_469] : memref<2x128x384xf32, #tpu.memory_space<vmem>> -> memref<1x128x384xf32, #tpu.memory_space<vmem>>
    %dma_start3A_471 = tpu.memref_squeeze %dma_start3A_470 : memref<1x128x384xf32, #tpu.memory_space<vmem>> -> memref<128x384xf32, #tpu.memory_space<vmem>>
    tpu.enqueue_dma source(%dma_start3A_471 : memref<128x384xf32, #tpu.memory_space<vmem>>) target(%dma_start3A_467 : memref<128x384xf32, #tpu.memory_space<hbm>>) target_semaphore(%arg10 : memref<!tpu.dma_semaphore, #tpu.memory_space<semaphore_mem>>)
    %dma_wait3A_472 = arith.constant 1 : i32
    %dma_wait3A_473 = arith.constant 0 : i32
    %dma_wait3A_474 = arith.constant 0 : i32
    %dma_wait3A_475 = tpu.memref_slice %arg8[%dma_wait3A_472, %dma_wait3A_473, %dma_wait3A_474] : memref<2x128x384xf32, #tpu.memory_space<vmem>> -> memref<1x128x384xf32, #tpu.memory_space<vmem>>
    %dma_wait3A_476 = tpu.memref_squeeze %dma_wait3A_475 : memref<1x128x384xf32, #tpu.memory_space<vmem>> -> memref<128x384xf32, #tpu.memory_space<vmem>>
    %dma_wait3A_477 = arith.constant 384 : i32
    %dma_wait3A_478 = tpu.memref_slice %arg6[%add3A_458, %dma_wait3A_477] : memref<16384x768xf32, #tpu.memory_space<hbm>> -> memref<128x384xf32, #tpu.memory_space<hbm>>
    %dma_wait3A_479 = arith.constant 384 : i32
    %dma_wait3A_480 = tpu.memref_slice %arg6[%add3A_458, %dma_wait3A_479] : memref<16384x768xf32, #tpu.memory_space<hbm>> -> memref<128x384xf32, #tpu.memory_space<hbm>>
    %dma_wait3A_481 = arith.constant 0 : i32
    %dma_wait3A_482 = arith.constant 0 : i32
    %dma_wait3A_483 = tpu.memref_slice %arg8[%dma_wait3A_472, %dma_wait3A_481, %dma_wait3A_482] : memref<2x128x384xf32, #tpu.memory_space<vmem>> -> memref<1x128x384xf32, #tpu.memory_space<vmem>>
    %dma_wait3A_484 = tpu.memref_squeeze %dma_wait3A_483 : memref<1x128x384xf32, #tpu.memory_space<vmem>> -> memref<128x384xf32, #tpu.memory_space<vmem>>
    tpu.wait_dma2 semaphore(%arg10 : memref<!tpu.dma_semaphore, #tpu.memory_space<semaphore_mem>>) src(%dma_wait3A_484 : memref<128x384xf32, #tpu.memory_space<vmem>>) dst(%dma_wait3A_480 : memref<128x384xf32, #tpu.memory_space<hbm>>)
    %dma_start3A_485 = arith.constant 7 : i32
    %dma_start3A_486 = arith.constant 1 : i32
    %dma_start3A_487 = arith.constant 0 : i32
    %dma_start3A_488 = arith.constant 0 : i32
    %dma_start3A_489 = tpu.memref_slice %arg8[%dma_start3A_486, %dma_start3A_487, %dma_start3A_488] : memref<2x128x384xf32, #tpu.memory_space<vmem>> -> memref<1x128x384xf32, #tpu.memory_space<vmem>>
    %dma_start3A_490 = tpu.memref_squeeze %dma_start3A_489 : memref<1x128x384xf32, #tpu.memory_space<vmem>> -> memref<128x384xf32, #tpu.memory_space<vmem>>
    %dma_start3A_491 = arith.constant 0 : i32
    %dma_start3A_492 = tpu.memref_slice %arg7[%dma_start3A_485, %dma_start3A_491] : memref<8x128xi32, #tpu.memory_space<vmem>> -> memref<1x128xi32, #tpu.memory_space<vmem>>
    %dma_start3A_493 = tpu.memref_squeeze %dma_start3A_492 : memref<1x128xi32, #tpu.memory_space<vmem>> -> memref<128xi32, #tpu.memory_space<vmem>>
    %dma_start3A_494 = arith.constant 0 : i32
    %dma_start3A_495 = arith.constant 0 : i32
    %dma_start3A_496 = tpu.memref_slice %arg5[%dma_start3A_494, %dma_start3A_495] : memref<100000x300xf32, #tpu.memory_space<hbm>> -> memref<100000x384xf32, #tpu.memory_space<hbm>>
    tpu.enqueue_indirect_dma source(%dma_start3A_496 : memref<100000x384xf32, #tpu.memory_space<hbm>>) target(%dma_start3A_490 : memref<128x384xf32, #tpu.memory_space<vmem>>) offsets(%dma_start3A_493 : memref<128xi32, #tpu.memory_space<vmem>>) semaphore(%arg9 : memref<!tpu.dma_semaphore, #tpu.memory_space<semaphore_mem>>)
    %dma_wait3A_497 = arith.constant 6 : i32
    %dma_wait3A_498 = arith.constant 0 : i32
    %dma_wait3A_499 = arith.constant 0 : i32
    %dma_wait3A_500 = arith.constant 0 : i32
    %dma_wait3A_501 = tpu.memref_slice %arg8[%dma_wait3A_498, %dma_wait3A_499, %dma_wait3A_500] : memref<2x128x384xf32, #tpu.memory_space<vmem>> -> memref<1x128x384xf32, #tpu.memory_space<vmem>>
    %dma_wait3A_502 = tpu.memref_squeeze %dma_wait3A_501 : memref<1x128x384xf32, #tpu.memory_space<vmem>> -> memref<128x384xf32, #tpu.memory_space<vmem>>
    %dma_wait3A_503 = arith.constant 0 : i32
    %dma_wait3A_504 = tpu.memref_slice %arg7[%dma_wait3A_497, %dma_wait3A_503] : memref<8x128xi32, #tpu.memory_space<vmem>> -> memref<1x128xi32, #tpu.memory_space<vmem>>
    %dma_wait3A_505 = tpu.memref_squeeze %dma_wait3A_504 : memref<1x128xi32, #tpu.memory_space<vmem>> -> memref<128xi32, #tpu.memory_space<vmem>>
    %dma_wait3A_506 = arith.constant 0 : i32
    %dma_wait3A_507 = arith.constant 0 : i32
    %dma_wait3A_508 = tpu.memref_slice %arg5[%dma_wait3A_506, %dma_wait3A_507] : memref<100000x300xf32, #tpu.memory_space<hbm>> -> memref<100000x384xf32, #tpu.memory_space<hbm>>
    tpu.wait_indirect_dma semaphore(%arg9 : memref<!tpu.dma_semaphore, #tpu.memory_space<semaphore_mem>>) src(%dma_wait3A_508 : memref<100000x384xf32, #tpu.memory_space<hbm>>) dst(%dma_wait3A_502 : memref<128x384xf32, #tpu.memory_space<vmem>>)
    %add3A_509 = arith.constant 256 : i32
    %add3A_510 = arith.addi %mul3A_2, %add3A_509 : i32
    %dma_start3A_511 = arith.constant 0 : i32
    %dma_start3A_512 = arith.constant 0 : i32
    %dma_start3A_513 = arith.constant 0 : i32
    %dma_start3A_514 = tpu.memref_slice %arg8[%dma_start3A_511, %dma_start3A_512, %dma_start3A_513] : memref<2x128x384xf32, #tpu.memory_space<vmem>> -> memref<1x128x384xf32, #tpu.memory_space<vmem>>
    %dma_start3A_515 = tpu.memref_squeeze %dma_start3A_514 : memref<1x128x384xf32, #tpu.memory_space<vmem>> -> memref<128x384xf32, #tpu.memory_space<vmem>>
    %dma_start3A_516 = arith.constant 384 : i32
    %dma_start3A_517 = tpu.memref_slice %arg6[%add3A_510, %dma_start3A_516] : memref<16384x768xf32, #tpu.memory_space<hbm>> -> memref<128x384xf32, #tpu.memory_space<hbm>>
    %dma_start3A_518 = arith.constant 384 : i32
    %dma_start3A_519 = tpu.memref_slice %arg6[%add3A_510, %dma_start3A_518] : memref<16384x768xf32, #tpu.memory_space<hbm>> -> memref<128x384xf32, #tpu.memory_space<hbm>>
    %dma_start3A_520 = arith.constant 0 : i32
    %dma_start3A_521 = arith.constant 0 : i32
    %dma_start3A_522 = tpu.memref_slice %arg8[%dma_start3A_511, %dma_start3A_520, %dma_start3A_521] : memref<2x128x384xf32, #tpu.memory_space<vmem>> -> memref<1x128x384xf32, #tpu.memory_space<vmem>>
    %dma_start3A_523 = tpu.memref_squeeze %dma_start3A_522 : memref<1x128x384xf32, #tpu.memory_space<vmem>> -> memref<128x384xf32, #tpu.memory_space<vmem>>
    tpu.enqueue_dma source(%dma_start3A_523 : memref<128x384xf32, #tpu.memory_space<vmem>>) target(%dma_start3A_519 : memref<128x384xf32, #tpu.memory_space<hbm>>) target_semaphore(%arg10 : memref<!tpu.dma_semaphore, #tpu.memory_space<semaphore_mem>>)
    %dma_wait3A_524 = arith.constant 7 : i32
    %dma_wait3A_525 = arith.constant 1 : i32
    %dma_wait3A_526 = arith.constant 0 : i32
    %dma_wait3A_527 = arith.constant 0 : i32
    %dma_wait3A_528 = tpu.memref_slice %arg8[%dma_wait3A_525, %dma_wait3A_526, %dma_wait3A_527] : memref<2x128x384xf32, #tpu.memory_space<vmem>> -> memref<1x128x384xf32, #tpu.memory_space<vmem>>
    %dma_wait3A_529 = tpu.memref_squeeze %dma_wait3A_528 : memref<1x128x384xf32, #tpu.memory_space<vmem>> -> memref<128x384xf32, #tpu.memory_space<vmem>>
    %dma_wait3A_530 = arith.constant 0 : i32
    %dma_wait3A_531 = tpu.memref_slice %arg7[%dma_wait3A_524, %dma_wait3A_530] : memref<8x128xi32, #tpu.memory_space<vmem>> -> memref<1x128xi32, #tpu.memory_space<vmem>>
    %dma_wait3A_532 = tpu.memref_squeeze %dma_wait3A_531 : memref<1x128xi32, #tpu.memory_space<vmem>> -> memref<128xi32, #tpu.memory_space<vmem>>
    %dma_wait3A_533 = arith.constant 0 : i32
    %dma_wait3A_534 = arith.constant 0 : i32
    %dma_wait3A_535 = tpu.memref_slice %arg5[%dma_wait3A_533, %dma_wait3A_534] : memref<100000x300xf32, #tpu.memory_space<hbm>> -> memref<100000x384xf32, #tpu.memory_space<hbm>>
    tpu.wait_indirect_dma semaphore(%arg9 : memref<!tpu.dma_semaphore, #tpu.memory_space<semaphore_mem>>) src(%dma_wait3A_535 : memref<100000x384xf32, #tpu.memory_space<hbm>>) dst(%dma_wait3A_529 : memref<128x384xf32, #tpu.memory_space<vmem>>)
    %add3A_536 = arith.constant 384 : i32
    %add3A_537 = arith.addi %mul3A_2, %add3A_536 : i32
    %dma_start3A_538 = arith.constant 1 : i32
    %dma_start3A_539 = arith.constant 0 : i32
    %dma_start3A_540 = arith.constant 0 : i32
    %dma_start3A_541 = tpu.memref_slice %arg8[%dma_start3A_538, %dma_start3A_539, %dma_start3A_540] : memref<2x128x384xf32, #tpu.memory_space<vmem>> -> memref<1x128x384xf32, #tpu.memory_space<vmem>>
    %dma_start3A_542 = tpu.memref_squeeze %dma_start3A_541 : memref<1x128x384xf32, #tpu.memory_space<vmem>> -> memref<128x384xf32, #tpu.memory_space<vmem>>
    %dma_start3A_543 = arith.constant 384 : i32
    %dma_start3A_544 = tpu.memref_slice %arg6[%add3A_537, %dma_start3A_543] : memref<16384x768xf32, #tpu.memory_space<hbm>> -> memref<128x384xf32, #tpu.memory_space<hbm>>
    %dma_start3A_545 = arith.constant 384 : i32
    %dma_start3A_546 = tpu.memref_slice %arg6[%add3A_537, %dma_start3A_545] : memref<16384x768xf32, #tpu.memory_space<hbm>> -> memref<128x384xf32, #tpu.memory_space<hbm>>
    %dma_start3A_547 = arith.constant 0 : i32
    %dma_start3A_548 = arith.constant 0 : i32
    %dma_start3A_549 = tpu.memref_slice %arg8[%dma_start3A_538, %dma_start3A_547, %dma_start3A_548] : memref<2x128x384xf32, #tpu.memory_space<vmem>> -> memref<1x128x384xf32, #tpu.memory_space<vmem>>
    %dma_start3A_550 = tpu.memref_squeeze %dma_start3A_549 : memref<1x128x384xf32, #tpu.memory_space<vmem>> -> memref<128x384xf32, #tpu.memory_space<vmem>>
    tpu.enqueue_dma source(%dma_start3A_550 : memref<128x384xf32, #tpu.memory_space<vmem>>) target(%dma_start3A_546 : memref<128x384xf32, #tpu.memory_space<hbm>>) target_semaphore(%arg10 : memref<!tpu.dma_semaphore, #tpu.memory_space<semaphore_mem>>)
    %dma_wait3A_551 = arith.constant 0 : i32
    %dma_wait3A_552 = arith.constant 0 : i32
    %dma_wait3A_553 = arith.constant 0 : i32
    %dma_wait3A_554 = tpu.memref_slice %arg8[%dma_wait3A_551, %dma_wait3A_552, %dma_wait3A_553] : memref<2x128x384xf32, #tpu.memory_space<vmem>> -> memref<1x128x384xf32, #tpu.memory_space<vmem>>
    %dma_wait3A_555 = tpu.memref_squeeze %dma_wait3A_554 : memref<1x128x384xf32, #tpu.memory_space<vmem>> -> memref<128x384xf32, #tpu.memory_space<vmem>>
    %dma_wait3A_556 = arith.constant 384 : i32
    %dma_wait3A_557 = tpu.memref_slice %arg6[%add3A_510, %dma_wait3A_556] : memref<16384x768xf32, #tpu.memory_space<hbm>> -> memref<128x384xf32, #tpu.memory_space<hbm>>
    %dma_wait3A_558 = arith.constant 384 : i32
    %dma_wait3A_559 = tpu.memref_slice %arg6[%add3A_510, %dma_wait3A_558] : memref<16384x768xf32, #tpu.memory_space<hbm>> -> memref<128x384xf32, #tpu.memory_space<hbm>>
    %dma_wait3A_560 = arith.constant 0 : i32
    %dma_wait3A_561 = arith.constant 0 : i32
    %dma_wait3A_562 = tpu.memref_slice %arg8[%dma_wait3A_551, %dma_wait3A_560, %dma_wait3A_561] : memref<2x128x384xf32, #tpu.memory_space<vmem>> -> memref<1x128x384xf32, #tpu.memory_space<vmem>>
    %dma_wait3A_563 = tpu.memref_squeeze %dma_wait3A_562 : memref<1x128x384xf32, #tpu.memory_space<vmem>> -> memref<128x384xf32, #tpu.memory_space<vmem>>
    tpu.wait_dma2 semaphore(%arg10 : memref<!tpu.dma_semaphore, #tpu.memory_space<semaphore_mem>>) src(%dma_wait3A_563 : memref<128x384xf32, #tpu.memory_space<vmem>>) dst(%dma_wait3A_559 : memref<128x384xf32, #tpu.memory_space<hbm>>)
    %dma_wait3A_564 = arith.constant 1 : i32
    %dma_wait3A_565 = arith.constant 0 : i32
    %dma_wait3A_566 = arith.constant 0 : i32
    %dma_wait3A_567 = tpu.memref_slice %arg8[%dma_wait3A_564, %dma_wait3A_565, %dma_wait3A_566] : memref<2x128x384xf32, #tpu.memory_space<vmem>> -> memref<1x128x384xf32, #tpu.memory_space<vmem>>
    %dma_wait3A_568 = tpu.memref_squeeze %dma_wait3A_567 : memref<1x128x384xf32, #tpu.memory_space<vmem>> -> memref<128x384xf32, #tpu.memory_space<vmem>>
    %dma_wait3A_569 = arith.constant 384 : i32
    %dma_wait3A_570 = tpu.memref_slice %arg6[%add3A_537, %dma_wait3A_569] : memref<16384x768xf32, #tpu.memory_space<hbm>> -> memref<128x384xf32, #tpu.memory_space<hbm>>
    %dma_wait3A_571 = arith.constant 384 : i32
    %dma_wait3A_572 = tpu.memref_slice %arg6[%add3A_537, %dma_wait3A_571] : memref<16384x768xf32, #tpu.memory_space<hbm>> -> memref<128x384xf32, #tpu.memory_space<hbm>>
    %dma_wait3A_573 = arith.constant 0 : i32
    %dma_wait3A_574 = arith.constant 0 : i32
    %dma_wait3A_575 = tpu.memref_slice %arg8[%dma_wait3A_564, %dma_wait3A_573, %dma_wait3A_574] : memref<2x128x384xf32, #tpu.memory_space<vmem>> -> memref<1x128x384xf32, #tpu.memory_space<vmem>>
    %dma_wait3A_576 = tpu.memref_squeeze %dma_wait3A_575 : memref<1x128x384xf32, #tpu.memory_space<vmem>> -> memref<128x384xf32, #tpu.memory_space<vmem>>
    tpu.wait_dma2 semaphore(%arg10 : memref<!tpu.dma_semaphore, #tpu.memory_space<semaphore_mem>>) src(%dma_wait3A_576 : memref<128x384xf32, #tpu.memory_space<vmem>>) dst(%dma_wait3A_572 : memref<128x384xf32, #tpu.memory_space<hbm>>)
    return
  }
}

module attributes {stable_mosaic.version = 14 : i64} {
  func.func @_mlp_body(%arg0: i32, %arg1: memref<1024x768xf32, #tpu.memory_space<vmem>>, %arg2: memref<1x768xf32, #tpu.memory_space<vmem>>, %arg3: memref<768x2048xf32, #tpu.memory_space<vmem>>, %arg4: memref<1x2048xf32, #tpu.memory_space<vmem>>, %arg5: memref<2048x512xf32, #tpu.memory_space<vmem>>, %arg6: memref<1x512xf32, #tpu.memory_space<vmem>>, %arg7: memref<1024x512xf32, #tpu.memory_space<vmem>>) attributes {dimension_semantics = [#tpu.dimension_semantics<arbitrary>], iteration_bounds = array<i64: 16>, scalar_prefetch = 0 : i64, scratch_operands = 0 : i64, tpu.core_type = #tpu.core_type<tc>, window_params = [{transform_indices = @transform_0, window_bounds = array<i64: 1024, 768>}, {pipeline_mode = #tpu.pipeline_mode<synchronous>, transform_indices = @transform_1, window_bounds = array<i64: 1, 768>}, {pipeline_mode = #tpu.pipeline_mode<synchronous>, transform_indices = @transform_2, window_bounds = array<i64: 768, 2048>}, {pipeline_mode = #tpu.pipeline_mode<synchronous>, transform_indices = @transform_3, window_bounds = array<i64: 1, 2048>}, {pipeline_mode = #tpu.pipeline_mode<synchronous>, transform_indices = @transform_4, window_bounds = array<i64: 2048, 512>}, {pipeline_mode = #tpu.pipeline_mode<synchronous>, transform_indices = @transform_5, window_bounds = array<i64: 1, 512>}, {transform_indices = @transform_6, window_bounds = array<i64: 1024, 512>}]} {
    %get3A = arith.constant 0 : index
    %get3A_0 = arith.constant 0 : index
    %get3A_1 = vector.load %arg2[%get3A, %get3A_0] : memref<1x768xf32, #tpu.memory_space<vmem>>, vector<1x768xf32>
    %gt3A = arith.constant 0.000000e+00 : f32
    %gt3A_2 = vector.broadcast %gt3A : f32 to vector<1x768xf32>
    %gt3A_3 = arith.cmpf ogt, %get3A_1, %gt3A_2 : vector<1x768xf32>
    %get3A_4 = arith.constant 0 : index
    %get3A_5 = arith.constant 0 : index
    %get3A_6 = vector.load %arg1[%get3A_4, %get3A_5] : memref<1024x768xf32, #tpu.memory_space<vmem>>, vector<1024x768xf32>
    %jit3A = arith.constant 0.000000e+00 : f32
    %broadcast_in_dim3A = vector.shape_cast %gt3A_3 : vector<1x768xi1> to vector<1x768xi1>
    %broadcast_in_dim3A_7 = vector.broadcast %broadcast_in_dim3A : vector<1x768xi1> to vector<1024x768xi1>
    %broadcast_in_dim3A_8 = vector.broadcast %jit3A : f32 to vector<1024x768xf32>
    %select_n3A = arith.select %broadcast_in_dim3A_7, %get3A_6, %broadcast_in_dim3A_8 : vector<1024x768xi1>, vector<1024x768xf32>
    %get3A_9 = arith.constant 0 : index
    %get3A_10 = arith.constant 0 : index
    %get3A_11 = vector.load %arg3[%get3A_9, %get3A_10] : memref<768x2048xf32, #tpu.memory_space<vmem>>, vector<768x2048xf32>
    %dot_general3A = arith.constant dense<0.000000e+00> : vector<1024x2048xf32>
    %dot_general3A_12 = tpu.matmul %select_n3A, %get3A_11, %dot_general3A {dimension_numbers = #tpu.dot_dimension_numbers<[1], [0], [0], [1], [0, 0, 1, 1], [], []>, transpose_lhs_hint = false} : vector<1024x768xf32>, vector<768x2048xf32>, vector<1024x2048xf32> -> vector<1024x2048xf32>
    %get3A_13 = arith.constant 0 : index
    %get3A_14 = arith.constant 0 : index
    %get3A_15 = vector.load %arg4[%get3A_13, %get3A_14] : memref<1x2048xf32, #tpu.memory_space<vmem>>, vector<1x2048xf32>
    %add3A = vector.broadcast %get3A_15 : vector<1x2048xf32> to vector<1024x2048xf32>
    %add3A_16 = arith.addf %dot_general3A_12, %add3A : vector<1024x2048xf32>
    %mul3A = arith.constant 0.00999999977 : f32
    %mul3A_17 = vector.broadcast %mul3A : f32 to vector<1024x2048xf32>
    %mul3A_18 = arith.mulf %mul3A_17, %add3A_16 : vector<1024x2048xf32>
    %max3A = arith.maximumf %add3A_16, %mul3A_18 : vector<1024x2048xf32>
    %get3A_19 = arith.constant 0 : index
    %get3A_20 = arith.constant 0 : index
    %get3A_21 = vector.load %arg5[%get3A_19, %get3A_20] : memref<2048x512xf32, #tpu.memory_space<vmem>>, vector<2048x512xf32>
    %dot_general3A_22 = arith.constant dense<0.000000e+00> : vector<1024x512xf32>
    %dot_general3A_23 = tpu.matmul %max3A, %get3A_21, %dot_general3A_22 {dimension_numbers = #tpu.dot_dimension_numbers<[1], [0], [0], [1], [0, 0, 1, 1], [], []>, transpose_lhs_hint = false} : vector<1024x2048xf32>, vector<2048x512xf32>, vector<1024x512xf32> -> vector<1024x512xf32>
    %get3A_24 = arith.constant 0 : index
    %get3A_25 = arith.constant 0 : index
    %get3A_26 = vector.load %arg6[%get3A_24, %get3A_25] : memref<1x512xf32, #tpu.memory_space<vmem>>, vector<1x512xf32>
    %add3A_27 = vector.broadcast %get3A_26 : vector<1x512xf32> to vector<1024x512xf32>
    %add3A_28 = arith.addf %dot_general3A_23, %add3A_27 : vector<1024x512xf32>
    %mul3A_29 = arith.mulf %add3A_28, %add3A_28 : vector<1024x512xf32>
    %reduce_sum3A = arith.constant dense<0.000000e+00> : vector<1024xf32>
    %reduce_sum3A_30 = vector.multi_reduction <add>, %mul3A_29, %reduce_sum3A [1] : vector<1024x512xf32> to vector<1024xf32>
    %broadcast_in_dim3A_31 = vector.shape_cast %reduce_sum3A_30 : vector<1024xf32> to vector<1024x1xf32>
    %sqrt3A = math.sqrt %broadcast_in_dim3A_31 : vector<1024x1xf32>
    %max3A_32 = arith.constant 9.99999996E-13 : f32
    %max3A_33 = vector.broadcast %max3A_32 : f32 to vector<1024x1xf32>
    %max3A_34 = arith.maximumf %sqrt3A, %max3A_33 : vector<1024x1xf32>
    %div3A = vector.broadcast %max3A_34 : vector<1024x1xf32> to vector<1024x512xf32>
    %div3A_35 = arith.divf %add3A_28, %div3A : vector<1024x512xf32>
    %swap3A = arith.constant 0 : index
    %swap3A_36 = arith.constant 0 : index
    %swap3A_37 = vector.load %arg7[%swap3A, %swap3A_36] : memref<1024x512xf32, #tpu.memory_space<vmem>>, vector<1024x512xf32>
    tpu.vector_store %arg7[%swap3A, %swap3A_36], %div3A_35 {strides = array<i32>} : memref<1024x512xf32, #tpu.memory_space<vmem>>, vector<1024x512xf32>,
    return
  }
  func.func @transform_0(%arg0: i32) -> (i32, i32) {
    %c0_i32 = arith.constant 0 : i32
    %c0_i32_0 = arith.constant 0 : i32
    return %arg0, %c0_i32 : i32, i32
  }
  func.func @transform_1(%arg0: i32) -> (i32, i32) {
    %c0_i32 = arith.constant 0 : i32
    %c0_i32_0 = arith.constant 0 : i32
    %c0_i32_1 = arith.constant 0 : i32
    return %c0_i32, %c0_i32_0 : i32, i32
  }
  func.func @transform_2(%arg0: i32) -> (i32, i32) {
    %c0_i32 = arith.constant 0 : i32
    %c0_i32_0 = arith.constant 0 : i32
    %c0_i32_1 = arith.constant 0 : i32
    return %c0_i32, %c0_i32_0 : i32, i32
  }
  func.func @transform_3(%arg0: i32) -> (i32, i32) {
    %c0_i32 = arith.constant 0 : i32
    %c0_i32_0 = arith.constant 0 : i32
    %c0_i32_1 = arith.constant 0 : i32
    return %c0_i32, %c0_i32_0 : i32, i32
  }
  func.func @transform_4(%arg0: i32) -> (i32, i32) {
    %c0_i32 = arith.constant 0 : i32
    %c0_i32_0 = arith.constant 0 : i32
    %c0_i32_1 = arith.constant 0 : i32
    return %c0_i32, %c0_i32_0 : i32, i32
  }
  func.func @transform_5(%arg0: i32) -> (i32, i32) {
    %c0_i32 = arith.constant 0 : i32
    %c0_i32_0 = arith.constant 0 : i32
    %c0_i32_1 = arith.constant 0 : i32
    return %c0_i32, %c0_i32_0 : i32, i32
  }
  func.func @transform_6(%arg0: i32) -> (i32, i32) {
    %c0_i32 = arith.constant 0 : i32
    %c0_i32_0 = arith.constant 0 : i32
    return %arg0, %c0_i32 : i32, i32
  }
}

</mosaic_0001>

<sc_bundles>
// kernel: kernel.4.cloned.1.call-start
scs
__scs_entry_jumppad:
0x0: {  	(pc) =	sbr.rel $0x88, $3  }
0x1: {  	(tag) =	ssettag $0x0;
	lr =	simm.s32 $0x1  }
0x2: {  	[smem:$0x3F99] =	sst lr;
	_ =	strace $0xD0000000  }
0x3: {  	_ = 	snop  }
0x4: {  	_ = 	snop  }
0x5: {  	_ = 	snop  }
0x6: {  	_ = 	snop  }
0x7: {  	_ = 	snop  }
__scs_overlays_trampoline_lowered:
0x8: {  	[smem:$0x3FA8] =	sst s0  }
0x9: {  	[smem:$0x3FA9] =	sst s1  }
0xa: {  	[smem:$0x3FAA] =	sst s2  }
0xb: {  	[smem:$0x3FAB] =	sst s3  }
0xc: {  	[smem:$0x3FAC] =	sst s4  }
0xd: {  	[smem:$0x3FAD] =	sst s5  }
0xe: {  	[smem:$0x3FAE] =	sst s6  }
0xf: {  	[smem:$0x3FAF] =	sst s7  }
0x10: {  	[smem:$0x3FB0] =	sst s8  }
0x11: {  	[smem:$0x3FB1] =	sst s9;
	s0 =	simm.s32 @!p0 $0x0  }
0x12: {  	s1 =	sld [smem:$0x3F97];
	s0 =	simm.s32 @p0 $0x1  }
0x13: {  	[smem:$0x3FB2] =	sst s0;
	s0 =	simm.s32 @!p1 $0x0  }
0x14: {  	s2 =	sld [smem:$0x3F96];
	s0 =	simm.s32 @p1 $0x1  }
0x15: {  	[smem:$0x3FB3] =	sst s0;
	s0 =	simm.s32 @!p2 $0x0  }
0x16: {  	s3 =	sld [smem:$0x3FDB];
	s0 =	simm.s32 @p2 $0x1  }
0x17: {  	s4 =	simm.s32 $0x1BF5;
	[smem:$0x3FB5] =	sst s0  }
0x18: {  	s0 =	sld [smem:$0x3F98];
	_ =	swait.ge [sflag:s4], $0x0  }
0x19: {  	s7 =	sld [smem:$0x3F99]  }
0x1a: {  	s8 =	sadd.s32 $0xFFFFE003, lr  }
0x1b: {  	s9 =	sadd.s32 $0xFFFFFEF7, lr;
	s5 =	simm.s32 $0xFFFFFFFF;
	p2 =	slt.u32 s8, $0xFFFFF086  }
0x1c: {  	p1 =	slt.u32 s9, $0xF7A;
	s5 =	simm.s32 @!p2 $0x0  }
0x1d: {  	s5 =	simm.s32 @p1 $0x1;
	p0 =	seq.s32 s7, s2  }
0x1e: {  	s7 =	smul.u32 @!p0 $0xF7A, s2;
	p2 =	seq.s32 @!p0 s5, $0x0  }
0x1f: {  	s9 =	smul.u32 $0xF7A, s1;
	s8 =	simm.s32 @!p0 $0x1BF5;
	p2 =	por !p2, p0  }
0x20: {  	[sflag:s8] =	ssyncset.s32 @!p0 $0xFFFFF086;
	s6 =	sadd.s32 @!p0 s3, s7;
	s7 =	simm.s32 @!p0 $0x108  }
0x21: {  	s3 =	sadd.s32 s3, s9;
	s6 =	sadd.s32 @!p0 $0x88, s6;
	s7 =	simm.s32 @p2 $0x1082  }
0x22: {  	[simem:s7], [sflag:s8] =	dma.local @!p0 [hbm:s6], $0xF7A  }
0x23: {  	s9 =	sor.u32 $0xD0000000, s2;
	s6 =	simm.s32 $0x108;
	_ =	swait.ge @!p0 [sflag:s8], $0x0  }
0x24: {  	s3 =	sadd.s32 $0x88, s3;
	s6 =	simm.s32 @!p1 $0x1082;
	[sflag:s4] =	ssyncset.s32 $0xFFFFF086  }
0x25: {  	[simem:s6], [sflag:s4] =	dma.local [hbm:s3], $0xF7A  }
0x26: {  	[smem:$0x3F99] =	sst s1;
	(tag) =	ssettag s2;
	_ =	strace s9  }
0x27: {  	s1 =	sld [smem:$0x3FA9]  }
0x28: {  	s2 =	sld [smem:$0x3FAA]  }
0x29: {  	s4 =	sld [smem:$0x3FAC]  }
0x2a: {  	p0 =	seq.s32 s5, $0x0;
	s5 =	sld [smem:$0x3FAD]  }
0x2b: {  	s6 =	sld [smem:$0x3FAE]  }
0x2c: {  	s7 =	sld [smem:$0x3FAF]  }
0x2d: {  	s3 =	simm.s32 $0x108;
	s8 =	sld [smem:$0x3FB0]  }
0x2e: {  	s3 =	simm.s32 @!p0 $0x1082;
	s9 =	sld [smem:$0x3FB1]  }
0x2f: {  	lr =	sadd.s32 s0, s3;
	s0 =	sld [smem:$0x3FA8]  }
0x30: {  	s3 =	sld [smem:$0x3FAB]  }
0x31: {  	[smem:$0x3FB4] =	sst s10  }
0x32: {  	s10 =	sld [smem:$0x3FB2];
	_ =	sdelay $0x3  }
0x33: {  	p0 =	seq.s32 s10, $0x1;
	s10 =	sld [smem:$0x3FB4];
	_ =	sdelay $0x3  }
0x34: {  	[smem:$0x3FB4] =	sst s10  }
0x35: {  	s10 =	sld [smem:$0x3FB3];
	_ =	sdelay $0x3  }
0x36: {  	p1 =	seq.s32 s10, $0x1;
	s10 =	sld [smem:$0x3FB4];
	_ =	sdelay $0x3  }
0x37: {  	[smem:$0x3FB4] =	sst s10  }
0x38: {  	s10 =	sld [smem:$0x3FB5]  }
0x39: {  	_ = 	snop;
	(pc) =	sbr.ind lr, $3  }
0x3a: {  	_ = 	snop  }
0x3b: {  	_ = 	snop  }
0x3c: {  	p2 =	seq.s32 s10, $0x1;
	s10 =	sld [smem:$0x3FB4]  }
0x3d: {  	_ =	shalt  }
0x3e: {  	_ =	shalt  }
0x3f: {  	_ =	shalt  }
0x40: {  	_ =	shalt  }
0x41: {  	_ =	shalt  }
0x42: {  	_ =	shalt  }
0x43: {  	_ =	shalt  }
0x44: {  	_ =	shalt  }
0x45: {  	_ =	shalt  }
0x46: {  	_ =	shalt  }
0x47: {  	_ =	shalt  }
0x48: {  	_ =	shalt  }
0x49: {  	_ =	shalt  }
0x4a: {  	_ =	shalt  }
0x4b: {  	_ =	shalt  }
0x4c: {  	_ =	shalt  }
0x4d: {  	_ =	shalt  }
0x4e: {  	_ =	shalt  }
0x4f: {  	_ =	shalt  }
0x50: {  	_ =	shalt  }
0x51: {  	_ =	shalt  }
0x52: {  	_ =	shalt  }
0x53: {  	_ =	shalt  }
0x54: {  	_ =	shalt  }
0x55: {  	_ =	shalt  }
0x56: {  	_ =	shalt  }
0x57: {  	_ =	shalt  }
0x58: {  	_ =	shalt  }
0x59: {  	_ =	shalt  }
0x5a: {  	_ =	shalt  }
0x5b: {  	_ =	shalt  }
0x5c: {  	_ =	shalt  }
0x5d: {  	_ =	shalt  }
0x5e: {  	_ =	shalt  }
0x5f: {  	_ =	shalt  }
0x60: {  	_ =	shalt  }
0x61: {  	_ =	shalt  }
0x62: {  	_ =	shalt  }
0x63: {  	_ =	shalt  }
0x64: {  	_ =	shalt  }
0x65: {  	_ =	shalt  }
0x66: {  	_ =	shalt  }
0x67: {  	_ =	shalt  }
0x68: {  	_ =	shalt  }
0x69: {  	_ =	shalt  }
0x6a: {  	_ =	shalt  }
0x6b: {  	_ =	shalt  }
0x6c: {  	_ =	shalt  }
0x6d: {  	_ =	shalt  }
0x6e: {  	_ =	shalt  }
0x6f: {  	_ =	shalt  }
0x70: {  	_ =	shalt  }
0x71: {  	_ =	shalt  }
0x72: {  	_ =	shalt  }
0x73: {  	_ =	shalt  }
0x74: {  	_ =	shalt  }
0x75: {  	_ =	shalt  }
0x76: {  	_ =	shalt  }
0x77: {  	_ =	shalt  }
0x78: {  	_ =	shalt  }
0x79: {  	_ =	shalt  }
0x7a: {  	_ =	shalt  }
0x7b: {  	_ =	shalt  }
0x7c: {  	_ =	shalt  }
0x7d: {  	_ =	shalt  }
0x7e: {  	_ =	shalt  }
0x7f: {  	_ =	shalt  }
0x80: {  	_ =	shalt  }
0x81: {  	_ =	shalt  }
0x82: {  	_ =	shalt  }
0x83: {  	_ =	shalt  }
0x84: {  	_ =	shalt  }
0x85: {  	_ =	shalt  }
0x86: {  	_ =	shalt  }
0x87: {  	_ =	shalt  }
.Lfunc_end0:
.L_simem_size_0:
called_computation_lowered:
.L_overlay_start_0:
0x88: {  	s2 =	sld [smem:$0x3FD9]  }
0x89: {  	s3 =	sld [smem:$0x3FFE];
	_ =	sdelay $0x1  }
0x8a: {  	s1 =	srdreg.scid  }
0x8b: {  	s0 =	sand.u32 $0x1, s1  }
0x8c: {  	s17 =	sshll.u32 s0, $0xA;
	s2 =	sadd.s32 s3, s2  }
0x8d: {  	s2 =	sadd.s32 s2, s17  }
0x8e: {  	[smem:$0x3FC0] =	sst s2  }
0x8f: {  	_ = 	snop  }
0x90: {  	s2 =	sld [smem:$0x3FC9]  }
0x91: {  	s18 =	sld [smem:$0x3FC8];
	(tm) =	ssettm $0x1  }
0x92: {  	s4 =	sld [smem:$0x3FFB];
	_ =	sdelay $0x3  }
0x93: {  	_ =	strace s4  }
0x94: {  	s4 =	sld [smem:$0x3FFC];
	_ =	sdelay $0x3  }
0x95: {  	_ =	strace s4  }
0x96: {  	s4 =	sld [smem:$0x3FFD];
	_ =	sdelay $0x3  }
0x97: {  	_ =	strace s4  }
0x98: {  	_ =	strace $0x8FFFFFFF  }
0x99: {  	s19 =	sld [smem:$0x3FDB];
	_ =	sdelay $0x1  }
0x9a: {  	s5 =	simm.s32 $_scs_section_size  }
0x9b: {  	s6 =	simm.s32 $_size__tile_overlayer_lowered;
	s7 =	simm.s32 $_tile_overlayer_lowered  }
0x9c: {  	s22 =	simm.s32 $0x1BFF;
	s21 =	sshll.u32 s7, $0x1;
	s4 =	sadd.s32 s5, s19  }
0x9d: {  	s8 =	simm.s32 $0x0;
	s20 =	sshll.u32 s6, $0x1;
	s6 =	sadd.s32 s21, s4  }
0x9e: {  	[timem:s8], [sflag:s22] =	dma.local [hbm:s6], s20  }
0x9f: {  	_ =	swait.ge [sflag:s22], s20  }
0xa0: {  	s5 =	ssub.s32 $0x0, s20;
	[sflag:s22] =	ssyncset.done $0x0  }
0xa1: {  	[sflag:s22] =	ssyncadd.s32 s5;
	_ =	sdelay $0x1  }
0xa2: {  	s23 =	simm.s32 $0x1B8B  }
0xa3: {  	_ =	swait.ge [sflag:s23], $0x1  }
0xa4: {  	[sflag:s23] =	ssyncset.done $0x0  }
0xa5: {  	s25 =	simm.s32 $0x1B8E;
	s24 =	sld [smem:$0x3FFE];
	[sflag:s23] =	ssyncadd.s32 $0xFFFFFFFF  }
0xa6: {  	s26 =	simm.s32 $execute0_lowered;
	[smem:$0x3FD2] =	sst s25  }
0xa7: {  	s6 =	sshll.u32 s26, $0x1;
	_ =	strace $0x80000046;
	[dreg:$0x1] =	wrdreg $0xFFFFFFFF  }
0xa8: {  	s28 =	simm.s32 $_size_execute0_lowered;
	s4 =	sadd.s32 s4, s6;
	[dreg:$0x0] =	wrdreg $0x0  }
0xa9: {  	s6 =	sshll.u32 s28, $0x1;
	[dreg:$0x2] =	wrdreg s4  }
0xaa: {  	[dreg:$0x3] =	wrdreg s6  }
0xab: {  	[dreg:$0x4] =	wrdreg $0xC0  }
0xac: {  	_ =	task [dreg:s8], $0x5FFFF  }
0xad: {  	[dreg:$0x1] =	wrdreg $0xFFFFFFFF  }
0xae: {  	[dreg:$0x0] =	wrdreg $0x60  }
0xaf: {  	[dreg:$0x2] =	wrdreg s2  }
0xb0: {  	[dreg:$0x3] =	wrdreg s18  }
0xb1: {  	[dreg:$0x4] =	wrdreg s24  }
0xb2: {  	[dreg:$0x5] =	wrdreg $0x9  }
0xb3: {  	_ =	task.clear_ibuf [dreg:s8], $0x6FFFF;
	_ =	strace $0x90000046  }
0xb4: {  	s29 =	simm.s32 $0x9;
	_ =	strace $0x80000048  }
0xb5: {  	_ =	swait.ge [sflag:s29], $0x1  }
0xb6: {  	[sflag:s29] =	ssyncadd.s32 $0xFFFFFFFF  }
0xb7: {  	_ =	strace $0x90000048  }
0xb8: {  	_ =	sfence  }
0xb9: {  	s30 =	sld [smem:$0x0];
	_ =	sdelay $0x2  }
0xba: {  	s31 =	sshll.u32 s1, $0xD;
	s1 =	sshrl.u32 s1, $0x2  }
0xbb: {  	s3 =	sand.u32 $0x4000, s31;
	s1 =	sadd.s32 s1, s30  }
0xbc: {  	s0 =	sor.u32 s3, s0;
	s1 =	sshll.u32 s1, $0x11  }
0xbd: {  	s0 =	sor.u32 s1, s0  }
0xbe: {  	s0 =	sadd.s32 $0x8F2B, s0  }
0xbf: {  	[sflag:s0] =	ssyncadd.remote.s32 $0x1  }
0xc0: {  	_ =	sfence.sel $0xFFFF  }
0xc1: {  	[dreg:$0x0] =	wrdreg $0xFFFFFFFF;
	(pc) =	sbr.abs _section_cstart, $3  }
0xc2: {  	[dreg:$0x1] =	wrdreg $0xFFFFFFFF  }
0xc3: {  	_ =	task.clear_ibuf [dreg:s8], $0x2FFFF;
	_ =	strace $0x9FFFFFFF  }
0xc4: {  	(tm) =	ssettm $0x7FFFFFFF  }
0xc5: {  	_ =	shalt  }
tec
execute0_lowered:
.L_overlay_start_1:
0x0: {  	(tag) =	ssettag $0x1  }
0x1: {  	s1 =	rddreg [dreg:$0x0]  }
0x2: {  	s3 =	rddreg [dreg:$0x1]  }
0x3: {  	s0 =	rddreg [dreg:$0x2]  }
0x4: {  	s2 =	srdreg.scid;
	s4 =	stileid.u32  }
0x5: {  	s22 =	simm.s32 $0x80;
	s5 =	sand.u32 $0x1, s2;
	s2 =	simm.s32 $0x0  }
0x6: {  	s23 =	simm.s32 $0x100;
	s4 =	sshll.u32 s4, $0x7;
	[smem:$0x7FF] =	sst s2  }
0x7: {  	s6 =	sshll.u32 s5, $0x6;
	_ =	strace $0x80000047;
	[dreg:$0x14] =	wrdreg s22  }
0x8: {  	s24 =	simm.s32 $0x180;
	s4 =	sor.u32 s6, s4;
	[dreg:$0x15] =	wrdreg s23  }
0x9: {  	[dreg:$0x16] =	wrdreg s24;
	s6 =	sadd.s32 s1, s4  }
0xa: {  	s7 =	sor.u32 $0x10, s4;
	s28 =	sadd.s32 s3, s4;
	[dreg:$0x4] =	wrdreg s6  }
0xb: {  	s8 =	sor.u32 $0x20, s4;
	s25 =	sadd.s32 s1, s7;
	[dreg:$0x8] =	wrdreg s28  }
0xc: {  	s9 =	sor.u32 $0x30, s4;
	s26 =	sadd.s32 s1, s8;
	[dreg:$0x5] =	wrdreg s25  }
0xd: {  	s29 =	sadd.s32 $0x928A00, s0;
	s1 =	sadd.s32 s1, s9;
	[dreg:$0x6] =	wrdreg s26  }
0xe: {  	s17 =	sadd.s32 $0x928B80, s0;
	s30 =	sadd.s32 s3, s7;
	[dreg:$0x7] =	wrdreg s1  }
0xf: {  	s5 =	ssub.s32 $0x2, s5;
	s31 =	sadd.s32 s3, s8;
	[dreg:$0x9] =	wrdreg s30  }
0x10: {  	s4 =	smul.u32 $0x300, s4;
	s3 =	sadd.s32 s3, s9;
	[dreg:$0xa] =	wrdreg s31  }
0x11: {  	s10 =	smul.u32 $0x300, s7;
	s28 =	simm.s32 $0x280;
	[dreg:$0xb] =	wrdreg s3  }
0x12: {  	s12 =	smul.u32 $0x300, s8;
	s11 =	sadd.s32 s29, s4;
	[dreg:$0x18] =	wrdreg s28  }
0x13: {  	s14 =	smul.u32 $0x300, s9;
	s18 =	sadd.s32 s4, s17;
	[dreg:$0xc] =	wrdreg s11  }
0x14: {  	s6 =	sadd.s32 $0x494D00, s0;
	s25 =	simm.s32 $0x200;
	[dreg:$0x10] =	wrdreg s18  }
0x15: {  	s8 =	simm.s32 $0x1;
	s30 =	simm.s32 $0x300;
	[dreg:$0x17] =	wrdreg s25  }
0x16: {  	s7 =	simm.s32 $0x1800;
	s31 =	simm.s32 $0x380;
	[dreg:$0x19] =	wrdreg s30  }
0x17: {  	s3 =	sadd.s32 $0xE00, s0;
	s13 =	sadd.s32 s29, s10;
	[dreg:$0x1a] =	wrdreg s31  }
0x18: {  	s4 =	sadd.s32 $0x494C00, s0;
	s15 =	sadd.s32 s29, s12;
	[dreg:$0xd] =	wrdreg s13  }
0x19: {  	s26 =	sshrl.u32 s5, $0x1;
	s16 =	sadd.s32 s29, s14;
	[dreg:$0xe] =	wrdreg s15  }
0x1a: {  	s1 =	simm.s32 $0x2;
	s19 =	sadd.s32 s10, s17;
	[dreg:$0xf] =	wrdreg s16  }
0x1b: {  	v2 =	vlaneseq.u32;
	s20 =	sadd.s32 s12, s17;
	s21 =	sadd.s32 s14, s17;
	[dreg:$0x11] =	wrdreg s19  }
0x1c: {  	vm0 =	vmmov $0xffff;
	vm1 =	vmmov $0xff;
	v1 =	vshrl.u32 v2, $0x3;
	s29 =	ssub.s32 s5, s26;
	s5 =	sadd.s32 $0xF00, s0;
	[dreg:$0x12] =	wrdreg s20  }
0x1d: {  	v0 =	vand.u32 $0x7, v2;
	v2 =	vor.u32 $0x8, v2;
	v1 =	vmul.u32 $0x8, v1;
	s12 =	simm.s32 $0xC00;
	[dreg:$0x13] =	wrdreg s21;
	s9 =	smax.u32 s29, $0x1  }
.LBB2_1:
0x1e: {  	s11 =	rddreg [dreg:$0x4]  }
0x1f: {  	s13 =	rddreg [dreg:$0x5]  }
0x20: {  	s14 =	rddreg [dreg:$0x14]  }
0x21: {  	s18 =	rddreg [dreg:$0x6]  }
0x22: {  	s19 =	rddreg [dreg:$0x15]  }
0x23: {  	s20 =	rddreg [dreg:$0x7]  }
0x24: {  	s15 =	rddreg [dreg:$0x16]  }
0x25: {  	s21 =	rddreg [dreg:$0x8]  }
0x26: {  	[tilespmem:s2], [sflag:$0x1] =	stream.linear.gather [hbm4b:s11+s2], $0x80, $0x38;
	[tilespmem:$0x18400] =	vst v63  }
0x27: {  	s22 =	rddreg [dreg:$0x17]  }
0x28: {  	[tilespmem:s14], [sflag:$0x1] =	stream.linear.gather [hbm4b:s13+s2], $0x80, $0x38;
	[tilespmem:$0x18400] =	vst v63  }
0x29: {  	s23 =	rddreg [dreg:$0x9]  }
0x2a: {  	[tilespmem:s19], [sflag:$0x1] =	stream.linear.gather [hbm4b:s18+s2], $0x80, $0x38;
	[tilespmem:$0x18400] =	vst v63  }
0x2b: {  	s24 =	rddreg [dreg:$0x18]  }
0x2c: {  	[tilespmem:s15], [sflag:$0x1] =	stream.linear.gather [hbm4b:s20+s2], $0x80, $0x38;
	[tilespmem:$0x18400] =	vst v63  }
0x2d: {  	s25 =	rddreg [dreg:$0xa]  }
0x2e: {  	[tilespmem:s22], [sflag:$0x1] =	stream.linear.gather [hbm4b:s21+s2], $0x80, $0x38;
	[tilespmem:$0x18400] =	vst v63  }
0x2f: {  	s26 =	rddreg [dreg:$0x19]  }
0x30: {  	[tilespmem:s24], [sflag:$0x1] =	stream.linear.gather [hbm4b:s23+s2], $0x80, $0x38;
	[tilespmem:$0x18400] =	vst v63  }
0x31: {  	s28 =	rddreg [dreg:$0xb]  }
0x32: {  	[tilespmem:s26], [sflag:$0x1] =	stream.linear.gather [hbm4b:s25+s2], $0x80, $0x38;
	[tilespmem:$0x18400] =	vst v63  }
0x33: {  	s29 =	rddreg [dreg:$0x1a]  }
0x34: {  	[tilespmem:s29], [sflag:$0x1] =	stream.linear.gather [hbm4b:s28+s2], $0x80, $0x38;
	[tilespmem:$0x18400] =	vst v63  }
0x35: {  	_ =	swait.ge [sflag:s8], $0x80  }
0x36: {  	[sflag:s8] =	ssyncset.done $0x0  }
0x37: {  	[sflag:s8] =	ssyncadd.s32 $0xFFFFFF80  }
0x38: {  	_ =	swait.ge [sflag:s8], $0x80  }
0x39: {  	[sflag:s8] =	ssyncset.done $0x0  }
0x3a: {  	[sflag:s8] =	ssyncadd.s32 $0xFFFFFF80  }
0x3b: {  	_ =	swait.ge [sflag:s8], $0x80  }
0x3c: {  	[sflag:s8] =	ssyncset.done $0x0  }
0x3d: {  	[sflag:s8] =	ssyncadd.s32 $0xFFFFFF80  }
0x3e: {  	_ =	swait.ge [sflag:s8], $0x80  }
0x3f: {  	[sflag:s8] =	ssyncset.done $0x0  }
0x40: {  	[sflag:s8] =	ssyncadd.s32 $0xFFFFFF80  }
0x41: {  	_ =	swait.ge [sflag:s8], $0x80  }
0x42: {  	[sflag:s8] =	ssyncset.done $0x0  }
0x43: {  	[sflag:s8] =	ssyncadd.s32 $0xFFFFFF80  }
0x44: {  	_ =	swait.ge [sflag:s8], $0x80  }
0x45: {  	[sflag:s8] =	ssyncset.done $0x0  }
0x46: {  	[sflag:s8] =	ssyncadd.s32 $0xFFFFFF80  }
0x47: {  	_ =	swait.ge [sflag:s8], $0x80  }
0x48: {  	[sflag:s8] =	ssyncset.done $0x0  }
0x49: {  	[sflag:s8] =	ssyncadd.s32 $0xFFFFFF80  }
0x4a: {  	_ =	swait.ge [sflag:s8], $0x80  }
0x4b: {  	[sflag:s8] =	ssyncset.done $0x0  }
0x4c: {  	[sflag:s8] =	ssyncadd.s32 $0xFFFFFF80  }
0x4d: {  	v3 =	vld [tilespmem:$0x0];
	_ =	sdelay $0x4  }
0x4e: {  	v4 =	vshrl.u32 v3, $0x3  }
0x4f: {  	v4 =	vmul.u32 $0x18, v4  }
0x50: {  	v3 =	vand.u32 $0x7, v3  }
0x51: {  	v3 =	vor.u32 v3, v4  }
0x52: {  	v4 =	vperm.xlane v3, v0;
	_ =	sdelay $0x1  }
0x53: {  	v4 =	vadd.s32 v1, v4;
	_ =	sdelay $0x1  }
0x54: {  	v3 =	vperm.xlane v3, v2;
	_ =	sdelay $0x1  }
0x55: {  	s0 =	simm.s32 $0x400;
	v3 =	vadd.s32 v1, v3  }
0x56: {  	[tilespmem:s0], [sflag:$0x1] =	stream.indirect_vreg.gather [hbm4b:s3+s2], $0x80, v4, vm0, $0xb8;
	[tilespmem:$0x18400] =	vst v63  }
0x57: {  	_ = 	snop  }
0x58: {  	[tilespmem:s12], [sflag:$0x1] =	stream.indirect_vreg.gather [hbm4b:s5+s2], $0x80, v4, vm1, $0xb8;
	[tilespmem:$0x18400] =	vst v63  }
0x59: {  	s30 =	simm.s32 $0x1000  }
0x5a: {  	[tilespmem:s30], [sflag:$0x1] =	stream.indirect_vreg.gather [hbm4b:s3+s2], $0x80, v3, vm0, $0xb8;
	[tilespmem:$0x18400] =	vst v63  }
0x5b: {  	_ = 	snop  }
0x5c: {  	[tilespmem:s7], [sflag:$0x1] =	stream.indirect_vreg.gather [hbm4b:s5+s2], $0x80, v3, vm1, $0xb8;
	[tilespmem:$0x18400] =	vst v63  }
0x5d: {  	v3 =	vld [tilespmem:$0x10];
	_ =	sdelay $0x4  }
0x5e: {  	v57 =	vshrl.u32 v3, $0x3  }
0x5f: {  	v4 =	vmul.u32 $0x18, v57  }
0x60: {  	v3 =	vand.u32 $0x7, v3  }
0x61: {  	v3 =	vor.u32 v3, v4  }
0x62: {  	v4 =	vperm.xlane v3, v0;
	_ =	sdelay $0x1  }
0x63: {  	v4 =	vadd.s32 v1, v4;
	_ =	sdelay $0x1  }
0x64: {  	v3 =	vperm.xlane v3, v2;
	_ =	sdelay $0x1  }
0x65: {  	s31 =	simm.s32 $0x1C00;
	v3 =	vadd.s32 v1, v3  }
0x66: {  	[tilespmem:s31], [sflag:$0x1] =	stream.indirect_vreg.gather [hbm4b:s3+s2], $0x80, v4, vm0, $0xb8;
	[tilespmem:$0x18400] =	vst v63  }
0x67: {  	s11 =	simm.s32 $0x2400  }
0x68: {  	[tilespmem:s11], [sflag:$0x1] =	stream.indirect_vreg.gather [hbm4b:s5+s2], $0x80, v4, vm1, $0xb8;
	[tilespmem:$0x18400] =	vst v63  }
0x69: {  	s13 =	simm.s32 $0x2800  }
0x6a: {  	[tilespmem:s13], [sflag:$0x1] =	stream.indirect_vreg.gather [hbm4b:s3+s2], $0x80, v3, vm0, $0xb8;
	[tilespmem:$0x18400] =	vst v63  }
0x6b: {  	s14 =	simm.s32 $0x3000  }
0x6c: {  	[tilespmem:s14], [sflag:$0x1] =	stream.indirect_vreg.gather [hbm4b:s5+s2], $0x80, v3, vm1, $0xb8;
	[tilespmem:$0x18400] =	vst v63  }
0x6d: {  	v3 =	vld [tilespmem:$0x20];
	_ =	sdelay $0x4  }
0x6e: {  	v58 =	vshrl.u32 v3, $0x3  }
0x6f: {  	v4 =	vmul.u32 $0x18, v58  }
0x70: {  	v3 =	vand.u32 $0x7, v3  }
0x71: {  	v3 =	vor.u32 v3, v4  }
0x72: {  	v4 =	vperm.xlane v3, v0;
	_ =	sdelay $0x1  }
0x73: {  	v4 =	vadd.s32 v1, v4;
	_ =	sdelay $0x1  }
0x74: {  	v3 =	vperm.xlane v3, v2;
	_ =	sdelay $0x1  }
0x75: {  	s15 =	simm.s32 $0x3400;
	v3 =	vadd.s32 v1, v3  }
0x76: {  	[tilespmem:s15], [sflag:$0x1] =	stream.indirect_vreg.gather [hbm4b:s3+s2], $0x80, v4, vm0, $0xb8;
	[tilespmem:$0x18400] =	vst v63  }
0x77: {  	s16 =	simm.s32 $0x3C00  }
0x78: {  	[tilespmem:s16], [sflag:$0x1] =	stream.indirect_vreg.gather [hbm4b:s5+s2], $0x80, v4, vm1, $0xb8;
	[tilespmem:$0x18400] =	vst v63  }
0x79: {  	s17 =	simm.s32 $0x4000  }
0x7a: {  	[tilespmem:s17], [sflag:$0x1] =	stream.indirect_vreg.gather [hbm4b:s3+s2], $0x80, v3, vm0, $0xb8;
	[tilespmem:$0x18400] =	vst v63  }
0x7b: {  	s18 =	simm.s32 $0x4800  }
0x7c: {  	[tilespmem:s18], [sflag:$0x1] =	stream.indirect_vreg.gather [hbm4b:s5+s2], $0x80, v3, vm1, $0xb8;
	[tilespmem:$0x18400] =	vst v63  }
0x7d: {  	v3 =	vld [tilespmem:$0x30];
	_ =	sdelay $0x4  }
0x7e: {  	v59 =	vshrl.u32 v3, $0x3  }
0x7f: {  	v4 =	vmul.u32 $0x18, v59  }
0x80: {  	v3 =	vand.u32 $0x7, v3  }
0x81: {  	v3 =	vor.u32 v3, v4  }
0x82: {  	v4 =	vperm.xlane v3, v0;
	_ =	sdelay $0x1  }
0x83: {  	v4 =	vadd.s32 v1, v4;
	_ =	sdelay $0x1  }
0x84: {  	v3 =	vperm.xlane v3, v2;
	_ =	sdelay $0x1  }
0x85: {  	s19 =	simm.s32 $0x4C00;
	v3 =	vadd.s32 v1, v3  }
0x86: {  	[tilespmem:s19], [sflag:$0x1] =	stream.indirect_vreg.gather [hbm4b:s3+s2], $0x80, v4, vm0, $0xb8;
	[tilespmem:$0x18400] =	vst v63  }
0x87: {  	s20 =	simm.s32 $0x5400  }
0x88: {  	[tilespmem:s20], [sflag:$0x1] =	stream.indirect_vreg.gather [hbm4b:s5+s2], $0x80, v4, vm1, $0xb8;
	[tilespmem:$0x18400] =	vst v63  }
0x89: {  	s21 =	simm.s32 $0x5800  }
0x8a: {  	[tilespmem:s21], [sflag:$0x1] =	stream.indirect_vreg.gather [hbm4b:s3+s2], $0x80, v3, vm0, $0xb8;
	[tilespmem:$0x18400] =	vst v63  }
0x8b: {  	s22 =	simm.s32 $0x6000  }
0x8c: {  	[tilespmem:s22], [sflag:$0x1] =	stream.indirect_vreg.gather [hbm4b:s5+s2], $0x80, v3, vm1, $0xb8;
	[tilespmem:$0x18400] =	vst v63  }
0x8d: {  	v3 =	vld [tilespmem:$0x40];
	_ =	sdelay $0x4  }
0x8e: {  	v60 =	vshrl.u32 v3, $0x3  }
0x8f: {  	v4 =	vmul.u32 $0x18, v60  }
0x90: {  	v3 =	vand.u32 $0x7, v3  }
0x91: {  	v3 =	vor.u32 v3, v4  }
0x92: {  	v4 =	vperm.xlane v3, v0;
	_ =	sdelay $0x1  }
0x93: {  	v4 =	vadd.s32 v1, v4;
	_ =	sdelay $0x1  }
0x94: {  	v3 =	vperm.xlane v3, v2;
	_ =	sdelay $0x1  }
0x95: {  	s23 =	simm.s32 $0x6400;
	v3 =	vadd.s32 v1, v3  }
0x96: {  	[tilespmem:s23], [sflag:$0x1] =	stream.indirect_vreg.gather [hbm4b:s3+s2], $0x80, v4, vm0, $0xb8;
	[tilespmem:$0x18400] =	vst v63  }
0x97: {  	s24 =	simm.s32 $0x6C00  }
0x98: {  	[tilespmem:s24], [sflag:$0x1] =	stream.indirect_vreg.gather [hbm4b:s5+s2], $0x80, v4, vm1, $0xb8;
	[tilespmem:$0x18400] =	vst v63  }
0x99: {  	s25 =	simm.s32 $0x7000  }
0x9a: {  	[tilespmem:s25], [sflag:$0x1] =	stream.indirect_vreg.gather [hbm4b:s3+s2], $0x80, v3, vm0, $0xb8;
	[tilespmem:$0x18400] =	vst v63  }
0x9b: {  	s26 =	simm.s32 $0x7800  }
0x9c: {  	[tilespmem:s26], [sflag:$0x1] =	stream.indirect_vreg.gather [hbm4b:s5+s2], $0x80, v3, vm1, $0xb8;
	[tilespmem:$0x18400] =	vst v63  }
0x9d: {  	v3 =	vld [tilespmem:$0x50];
	_ =	sdelay $0x4  }
0x9e: {  	v61 =	vshrl.u32 v3, $0x3  }
0x9f: {  	v4 =	vmul.u32 $0x18, v61  }
0xa0: {  	v3 =	vand.u32 $0x7, v3  }
0xa1: {  	v3 =	vor.u32 v3, v4  }
0xa2: {  	v4 =	vperm.xlane v3, v0;
	_ =	sdelay $0x1  }
0xa3: {  	v4 =	vadd.s32 v1, v4;
	_ =	sdelay $0x1  }
0xa4: {  	v3 =	vperm.xlane v3, v2;
	_ =	sdelay $0x1  }
0xa5: {  	s28 =	simm.s32 $0x7C00;
	v3 =	vadd.s32 v1, v3  }
0xa6: {  	[tilespmem:s28], [sflag:$0x1] =	stream.indirect_vreg.gather [hbm4b:s3+s2], $0x80, v4, vm0, $0xb8;
	[tilespmem:$0x18400] =	vst v63  }
0xa7: {  	s29 =	simm.s32 $0x8400  }
0xa8: {  	[tilespmem:s29], [sflag:$0x1] =	stream.indirect_vreg.gather [hbm4b:s5+s2], $0x80, v4, vm1, $0xb8;
	[tilespmem:$0x18400] =	vst v63  }
0xa9: {  	s30 =	simm.s32 $0x8800  }
0xaa: {  	[tilespmem:s30], [sflag:$0x1] =	stream.indirect_vreg.gather [hbm4b:s3+s2], $0x80, v3, vm0, $0xb8;
	[tilespmem:$0x18400] =	vst v63  }
0xab: {  	s31 =	simm.s32 $0x9000  }
0xac: {  	[tilespmem:s31], [sflag:$0x1] =	stream.indirect_vreg.gather [hbm4b:s5+s2], $0x80, v3, vm1, $0xb8;
	[tilespmem:$0x18400] =	vst v63  }
0xad: {  	v3 =	vld [tilespmem:$0x60];
	_ =	sdelay $0x4  }
0xae: {  	v62 =	vshrl.u32 v3, $0x3  }
0xaf: {  	v4 =	vmul.u32 $0x18, v62  }
0xb0: {  	v3 =	vand.u32 $0x7, v3  }
0xb1: {  	v3 =	vor.u32 v3, v4  }
0xb2: {  	v4 =	vperm.xlane v3, v0;
	_ =	sdelay $0x1  }
0xb3: {  	v4 =	vadd.s32 v1, v4;
	_ =	sdelay $0x1  }
0xb4: {  	v3 =	vperm.xlane v3, v2;
	_ =	sdelay $0x1  }
0xb5: {  	s11 =	simm.s32 $0x9400;
	v3 =	vadd.s32 v1, v3  }
0xb6: {  	[tilespmem:s11], [sflag:$0x1] =	stream.indirect_vreg.gather [hbm4b:s3+s2], $0x80, v4, vm0, $0xb8;
	[tilespmem:$0x18400] =	vst v63  }
0xb7: {  	s13 =	simm.s32 $0x9C00  }
0xb8: {  	[tilespmem:s13], [sflag:$0x1] =	stream.indirect_vreg.gather [hbm4b:s5+s2], $0x80, v4, vm1, $0xb8;
	[tilespmem:$0x18400] =	vst v63  }
0xb9: {  	s18 =	simm.s32 $0xA000  }
0xba: {  	[tilespmem:s18], [sflag:$0x1] =	stream.indirect_vreg.gather [hbm4b:s3+s2], $0x80, v3, vm0, $0xb8;
	[tilespmem:$0x18400] =	vst v63  }
0xbb: {  	s19 =	simm.s32 $0xA800  }
0xbc: {  	[tilespmem:s19], [sflag:$0x1] =	stream.indirect_vreg.gather [hbm4b:s5+s2], $0x80, v3, vm1, $0xb8;
	[tilespmem:$0x18400] =	vst v63  }
0xbd: {  	v3 =	vld [tilespmem:$0x70];
	_ =	sdelay $0x4  }
0xbe: {  	v63 =	vshrl.u32 v3, $0x3  }
0xbf: {  	v4 =	vmul.u32 $0x18, v63  }
0xc0: {  	v3 =	vand.u32 $0x7, v3  }
0xc1: {  	v3 =	vor.u32 v3, v4  }
0xc2: {  	v4 =	vperm.xlane v3, v0;
	_ =	sdelay $0x1  }
0xc3: {  	v4 =	vadd.s32 v1, v4;
	_ =	sdelay $0x1  }
0xc4: {  	v3 =	vperm.xlane v3, v2;
	_ =	sdelay $0x1  }
0xc5: {  	s21 =	simm.s32 $0xAC00;
	v3 =	vadd.s32 v1, v3  }
0xc6: {  	[tilespmem:s21], [sflag:$0x1] =	stream.indirect_vreg.gather [hbm4b:s3+s2], $0x80, v4, vm0, $0xb8;
	[tilespmem:$0x18400] =	vst v63  }
0xc7: {  	s22 =	simm.s32 $0xB400  }
0xc8: {  	[tilespmem:s22], [sflag:$0x1] =	stream.indirect_vreg.gather [hbm4b:s5+s2], $0x80, v4, vm1, $0xb8;
	[tilespmem:$0x18400] =	vst v63  }
0xc9: {  	s23 =	simm.s32 $0xB800  }
0xca: {  	[tilespmem:s23], [sflag:$0x1] =	stream.indirect_vreg.gather [hbm4b:s3+s2], $0x80, v3, vm0, $0xb8;
	[tilespmem:$0x18400] =	vst v63  }
0xcb: {  	s24 =	simm.s32 $0xC000  }
0xcc: {  	[tilespmem:s24], [sflag:$0x1] =	stream.indirect_vreg.gather [hbm4b:s5+s2], $0x80, v3, vm1, $0xb8;
	[tilespmem:$0x18400] =	vst v63  }
0xcd: {  	v3 =	vld [tilespmem:$0x80];
	_ =	sdelay $0x4  }
0xce: {  	v8 =	vshrl.u32 v3, $0x3  }
0xcf: {  	v4 =	vmul.u32 $0x18, v8  }
0xd0: {  	v3 =	vand.u32 $0x7, v3  }
0xd1: {  	v3 =	vor.u32 v3, v4  }
0xd2: {  	v4 =	vperm.xlane v3, v0;
	_ =	sdelay $0x1  }
0xd3: {  	v4 =	vadd.s32 v1, v4;
	_ =	sdelay $0x1  }
0xd4: {  	v3 =	vperm.xlane v3, v2;
	_ =	sdelay $0x1  }
0xd5: {  	s25 =	simm.s32 $0xC400;
	v3 =	vadd.s32 v1, v3  }
0xd6: {  	[tilespmem:s25], [sflag:$0x1] =	stream.indirect_vreg.gather [hbm4b:s3+s2], $0x80, v4, vm0, $0xb8;
	[tilespmem:$0x18400] =	vst v63  }
0xd7: {  	s26 =	simm.s32 $0xCC00  }
0xd8: {  	[tilespmem:s26], [sflag:$0x1] =	stream.indirect_vreg.gather [hbm4b:s5+s2], $0x80, v4, vm1, $0xb8;
	[tilespmem:$0x18400] =	vst v63  }
0xd9: {  	s28 =	simm.s32 $0xD000  }
0xda: {  	[tilespmem:s28], [sflag:$0x1] =	stream.indirect_vreg.gather [hbm4b:s3+s2], $0x80, v3, vm0, $0xb8;
	[tilespmem:$0x18400] =	vst v63  }
0xdb: {  	s29 =	simm.s32 $0xD800  }
0xdc: {  	[tilespmem:s29], [sflag:$0x1] =	stream.indirect_vreg.gather [hbm4b:s5+s2], $0x80, v3, vm1, $0xb8;
	[tilespmem:$0x18400] =	vst v63  }
0xdd: {  	v3 =	vld [tilespmem:$0x90];
	_ =	sdelay $0x4  }
0xde: {  	v9 =	vshrl.u32 v3, $0x3  }
0xdf: {  	v4 =	vmul.u32 $0x18, v9  }
0xe0: {  	v3 =	vand.u32 $0x7, v3  }
0xe1: {  	v3 =	vor.u32 v3, v4  }
0xe2: {  	v4 =	vperm.xlane v3, v0;
	_ =	sdelay $0x1  }
0xe3: {  	v4 =	vadd.s32 v1, v4;
	_ =	sdelay $0x1  }
0xe4: {  	v3 =	vperm.xlane v3, v2;
	_ =	sdelay $0x1  }
0xe5: {  	s30 =	simm.s32 $0xDC00;
	v3 =	vadd.s32 v1, v3  }
0xe6: {  	[tilespmem:s30], [sflag:$0x1] =	stream.indirect_vreg.gather [hbm4b:s3+s2], $0x80, v4, vm0, $0xb8;
	[tilespmem:$0x18400] =	vst v63  }
0xe7: {  	s31 =	simm.s32 $0xE400  }
0xe8: {  	[tilespmem:s31], [sflag:$0x1] =	stream.indirect_vreg.gather [hbm4b:s5+s2], $0x80, v4, vm1, $0xb8;
	[tilespmem:$0x18400] =	vst v63  }
0xe9: {  	s0 =	simm.s32 $0xE800  }
0xea: {  	[tilespmem:s0], [sflag:$0x1] =	stream.indirect_vreg.gather [hbm4b:s3+s2], $0x80, v3, vm0, $0xb8;
	[tilespmem:$0x18400] =	vst v63  }
0xeb: {  	s13 =	simm.s32 $0xF000  }
0xec: {  	[tilespmem:s13], [sflag:$0x1] =	stream.indirect_vreg.gather [hbm4b:s5+s2], $0x80, v3, vm1, $0xb8;
	[tilespmem:$0x18400] =	vst v63  }
0xed: {  	v3 =	vld [tilespmem:$0xA0];
	_ =	sdelay $0x4  }
0xee: {  	v10 =	vshrl.u32 v3, $0x3  }
0xef: {  	v4 =	vmul.u32 $0x18, v10  }
0xf0: {  	v3 =	vand.u32 $0x7, v3  }
0xf1: {  	v3 =	vor.u32 v3, v4  }
0xf2: {  	v4 =	vperm.xlane v3, v0;
	_ =	sdelay $0x1  }
0xf3: {  	v4 =	vadd.s32 v1, v4;
	_ =	sdelay $0x1  }
0xf4: {  	v3 =	vperm.xlane v3, v2;
	_ =	sdelay $0x1  }
0xf5: {  	s18 =	simm.s32 $0xF400;
	v3 =	vadd.s32 v1, v3  }
0xf6: {  	[tilespmem:s18], [sflag:$0x1] =	stream.indirect_vreg.gather [hbm4b:s3+s2], $0x80, v4, vm0, $0xb8;
	[tilespmem:$0x18400] =	vst v63  }
0xf7: {  	s19 =	simm.s32 $0xFC00  }
0xf8: {  	[tilespmem:s19], [sflag:$0x1] =	stream.indirect_vreg.gather [hbm4b:s5+s2], $0x80, v4, vm1, $0xb8;
	[tilespmem:$0x18400] =	vst v63  }
0xf9: {  	s21 =	simm.s32 $0x10000  }
0xfa: {  	[tilespmem:s21], [sflag:$0x1] =	stream.indirect_vreg.gather [hbm4b:s3+s2], $0x80, v3, vm0, $0xb8;
	[tilespmem:$0x18400] =	vst v63  }
0xfb: {  	s22 =	simm.s32 $0x10800  }
0xfc: {  	[tilespmem:s22], [sflag:$0x1] =	stream.indirect_vreg.gather [hbm4b:s5+s2], $0x80, v3, vm1, $0xb8;
	[tilespmem:$0x18400] =	vst v63  }
0xfd: {  	v3 =	vld [tilespmem:$0xB0];
	_ =	sdelay $0x4  }
0xfe: {  	v11 =	vshrl.u32 v3, $0x3  }
0xff: {  	v4 =	vmul.u32 $0x18, v11  }
0x100: {  	v3 =	vand.u32 $0x7, v3  }
0x101: {  	v3 =	vor.u32 v3, v4  }
0x102: {  	v4 =	vperm.xlane v3, v0;
	_ =	sdelay $0x1  }
0x103: {  	v4 =	vadd.s32 v1, v4;
	_ =	sdelay $0x1  }
0x104: {  	v3 =	vperm.xlane v3, v2;
	_ =	sdelay $0x1  }
0x105: {  	s23 =	simm.s32 $0x10C00;
	v3 =	vadd.s32 v1, v3  }
0x106: {  	[tilespmem:s23], [sflag:$0x1] =	stream.indirect_vreg.gather [hbm4b:s3+s2], $0x80, v4, vm0, $0xb8;
	[tilespmem:$0x18400] =	vst v63  }
0x107: {  	s24 =	simm.s32 $0x11400  }
0x108: {  	[tilespmem:s24], [sflag:$0x1] =	stream.indirect_vreg.gather [hbm4b:s5+s2], $0x80, v4, vm1, $0xb8;
	[tilespmem:$0x18400] =	vst v63  }
0x109: {  	s25 =	simm.s32 $0x11800  }
0x10a: {  	[tilespmem:s25], [sflag:$0x1] =	stream.indirect_vreg.gather [hbm4b:s3+s2], $0x80, v3, vm0, $0xb8;
	[tilespmem:$0x18400] =	vst v63  }
0x10b: {  	s26 =	simm.s32 $0x12000  }
0x10c: {  	[tilespmem:s26], [sflag:$0x1] =	stream.indirect_vreg.gather [hbm4b:s5+s2], $0x80, v3, vm1, $0xb8;
	[tilespmem:$0x18400] =	vst v63  }
0x10d: {  	v3 =	vld [tilespmem:$0xC0];
	_ =	sdelay $0x4  }
0x10e: {  	v12 =	vshrl.u32 v3, $0x3  }
0x10f: {  	v4 =	vmul.u32 $0x18, v12  }
0x110: {  	v3 =	vand.u32 $0x7, v3  }
0x111: {  	v3 =	vor.u32 v3, v4  }
0x112: {  	v4 =	vperm.xlane v3, v0;
	_ =	sdelay $0x1  }
0x113: {  	v4 =	vadd.s32 v1, v4;
	_ =	sdelay $0x1  }
0x114: {  	v3 =	vperm.xlane v3, v2;
	_ =	sdelay $0x1  }
0x115: {  	s28 =	simm.s32 $0x12400;
	v3 =	vadd.s32 v1, v3  }
0x116: {  	[tilespmem:s28], [sflag:$0x1] =	stream.indirect_vreg.gather [hbm4b:s3+s2], $0x80, v4, vm0, $0xb8;
	[tilespmem:$0x18400] =	vst v63  }
0x117: {  	s29 =	simm.s32 $0x12C00  }
0x118: {  	[tilespmem:s29], [sflag:$0x1] =	stream.indirect_vreg.gather [hbm4b:s5+s2], $0x80, v4, vm1, $0xb8;
	[tilespmem:$0x18400] =	vst v63  }
0x119: {  	s30 =	simm.s32 $0x13000  }
0x11a: {  	[tilespmem:s30], [sflag:$0x1] =	stream.indirect_vreg.gather [hbm4b:s3+s2], $0x80, v3, vm0, $0xb8;
	[tilespmem:$0x18400] =	vst v63  }
0x11b: {  	s31 =	simm.s32 $0x13800  }
0x11c: {  	[tilespmem:s31], [sflag:$0x1] =	stream.indirect_vreg.gather [hbm4b:s5+s2], $0x80, v3, vm1, $0xb8;
	[tilespmem:$0x18400] =	vst v63  }
0x11d: {  	v3 =	vld [tilespmem:$0xD0];
	_ =	sdelay $0x4  }
0x11e: {  	v13 =	vshrl.u32 v3, $0x3  }
0x11f: {  	v4 =	vmul.u32 $0x18, v13  }
0x120: {  	v3 =	vand.u32 $0x7, v3  }
0x121: {  	v3 =	vor.u32 v3, v4  }
0x122: {  	v4 =	vperm.xlane v3, v0;
	_ =	sdelay $0x1  }
0x123: {  	v4 =	vadd.s32 v1, v4;
	_ =	sdelay $0x1  }
0x124: {  	v3 =	vperm.xlane v3, v2;
	_ =	sdelay $0x1  }
0x125: {  	s0 =	simm.s32 $0x13C00;
	v3 =	vadd.s32 v1, v3  }
0x126: {  	[tilespmem:s0], [sflag:$0x1] =	stream.indirect_vreg.gather [hbm4b:s3+s2], $0x80, v4, vm0, $0xb8;
	[tilespmem:$0x18400] =	vst v63  }
0x127: {  	s13 =	simm.s32 $0x14400  }
0x128: {  	[tilespmem:s13], [sflag:$0x1] =	stream.indirect_vreg.gather [hbm4b:s5+s2], $0x80, v4, vm1, $0xb8;
	[tilespmem:$0x18400] =	vst v63  }
0x129: {  	s18 =	simm.s32 $0x14800  }
0x12a: {  	[tilespmem:s18], [sflag:$0x1] =	stream.indirect_vreg.gather [hbm4b:s3+s2], $0x80, v3, vm0, $0xb8;
	[tilespmem:$0x18400] =	vst v63  }
0x12b: {  	s19 =	simm.s32 $0x15000  }
0x12c: {  	[tilespmem:s19], [sflag:$0x1] =	stream.indirect_vreg.gather [hbm4b:s5+s2], $0x80, v3, vm1, $0xb8;
	[tilespmem:$0x18400] =	vst v63  }
0x12d: {  	v3 =	vld [tilespmem:$0xE0];
	_ =	sdelay $0x4  }
0x12e: {  	v14 =	vshrl.u32 v3, $0x3  }
0x12f: {  	v4 =	vmul.u32 $0x18, v14  }
0x130: {  	v3 =	vand.u32 $0x7, v3  }
0x131: {  	v3 =	vor.u32 v3, v4  }
0x132: {  	v4 =	vperm.xlane v3, v0;
	_ =	sdelay $0x1  }
0x133: {  	v4 =	vadd.s32 v1, v4;
	_ =	sdelay $0x1  }
0x134: {  	v3 =	vperm.xlane v3, v2;
	_ =	sdelay $0x1  }
0x135: {  	s21 =	simm.s32 $0x15400;
	v3 =	vadd.s32 v1, v3  }
0x136: {  	[tilespmem:s21], [sflag:$0x1] =	stream.indirect_vreg.gather [hbm4b:s3+s2], $0x80, v4, vm0, $0xb8;
	[tilespmem:$0x18400] =	vst v63  }
0x137: {  	s22 =	simm.s32 $0x15C00  }
0x138: {  	[tilespmem:s22], [sflag:$0x1] =	stream.indirect_vreg.gather [hbm4b:s5+s2], $0x80, v4, vm1, $0xb8;
	[tilespmem:$0x18400] =	vst v63  }
0x139: {  	s23 =	simm.s32 $0x16000  }
0x13a: {  	[tilespmem:s23], [sflag:$0x1] =	stream.indirect_vreg.gather [hbm4b:s3+s2], $0x80, v3, vm0, $0xb8;
	[tilespmem:$0x18400] =	vst v63  }
0x13b: {  	s24 =	simm.s32 $0x16800  }
0x13c: {  	[tilespmem:s24], [sflag:$0x1] =	stream.indirect_vreg.gather [hbm4b:s5+s2], $0x80, v3, vm1, $0xb8;
	[tilespmem:$0x18400] =	vst v63  }
0x13d: {  	v3 =	vld [tilespmem:$0xF0];
	_ =	sdelay $0x4  }
0x13e: {  	v15 =	vshrl.u32 v3, $0x3  }
0x13f: {  	v4 =	vmul.u32 $0x18, v15  }
0x140: {  	v3 =	vand.u32 $0x7, v3  }
0x141: {  	v3 =	vor.u32 v3, v4  }
0x142: {  	v4 =	vperm.xlane v3, v0;
	_ =	sdelay $0x1  }
0x143: {  	v4 =	vadd.s32 v1, v4;
	_ =	sdelay $0x1  }
0x144: {  	v3 =	vperm.xlane v3, v2;
	_ =	sdelay $0x1  }
0x145: {  	s25 =	simm.s32 $0x16C00;
	v3 =	vadd.s32 v1, v3  }
0x146: {  	[tilespmem:s25], [sflag:$0x1] =	stream.indirect_vreg.gather [hbm4b:s3+s2], $0x80, v4, vm0, $0xb8;
	[tilespmem:$0x18400] =	vst v63  }
0x147: {  	s26 =	simm.s32 $0x17400  }
0x148: {  	[tilespmem:s26], [sflag:$0x1] =	stream.indirect_vreg.gather [hbm4b:s5+s2], $0x80, v4, vm1, $0xb8;
	[tilespmem:$0x18400] =	vst v63  }
0x149: {  	s28 =	simm.s32 $0x17800  }
0x14a: {  	[tilespmem:s28], [sflag:$0x1] =	stream.indirect_vreg.gather [hbm4b:s3+s2], $0x80, v3, vm0, $0xb8;
	[tilespmem:$0x18400] =	vst v63  }
0x14b: {  	s29 =	simm.s32 $0x18000  }
0x14c: {  	[tilespmem:s29], [sflag:$0x1] =	stream.indirect_vreg.gather [hbm4b:s5+s2], $0x80, v3, vm1, $0xb8;
	[tilespmem:$0x18400] =	vst v63  }
0x14d: {  	_ =	swait.ge [sflag:s8], $0xC000  }
0x14e: {  	[sflag:s8] =	ssyncset.done $0x0  }
0x14f: {  	s31 =	simm.s32 $0x400;
	s30 =	rddreg [dreg:$0xc];
	[sflag:s8] =	ssyncadd.s32 $0xFFFF4000  }
0x150: {  	[hbm4b:s30+s12] =	stream.strided.scatter [tilespmem:s31], [sflag:$0x2], $0xC000, s7, s12, $0x38;
	[tilespmem:$0x18400] =	vst v63  }
0x151: {  	_ =	swait.ge [sflag:s1], $0xC000  }
0x152: {  	[sflag:s1] =	ssyncset.done $0x0  }
0x153: {  	[sflag:s1] =	ssyncadd.s32 $0xFFFF4000  }
0x154: {  	v3 =	vld [tilespmem:$0x100];
	_ =	sdelay $0x4  }
0x155: {  	v16 =	vshrl.u32 v3, $0x3  }
0x156: {  	v4 =	vmul.u32 $0x18, v16  }
0x157: {  	v3 =	vand.u32 $0x7, v3  }
0x158: {  	v3 =	vor.u32 v3, v4  }
0x159: {  	v4 =	vperm.xlane v3, v0;
	_ =	sdelay $0x1  }
0x15a: {  	v4 =	vadd.s32 v1, v4;
	_ =	sdelay $0x1  }
0x15b: {  	v3 =	vperm.xlane v3, v2;
	_ =	sdelay $0x1  }
0x15c: {  	v3 =	vadd.s32 v1, v3  }
0x15d: {  	[tilespmem:s31], [sflag:$0x1] =	stream.indirect_vreg.gather [hbm4b:s3+s2], $0x80, v4, vm0, $0xb8;
	[tilespmem:$0x18400] =	vst v63  }
0x15e: {  	_ = 	snop  }
0x15f: {  	[tilespmem:s12], [sflag:$0x1] =	stream.indirect_vreg.gather [hbm4b:s5+s2], $0x80, v4, vm1, $0xb8;
	[tilespmem:$0x18400] =	vst v63  }
0x160: {  	s10 =	simm.s32 $0x1000  }
0x161: {  	[tilespmem:s10], [sflag:$0x1] =	stream.indirect_vreg.gather [hbm4b:s3+s2], $0x80, v3, vm0, $0xb8;
	[tilespmem:$0x18400] =	vst v63  }
0x162: {  	_ = 	snop  }
0x163: {  	[tilespmem:s7], [sflag:$0x1] =	stream.indirect_vreg.gather [hbm4b:s5+s2], $0x80, v3, vm1, $0xb8;
	[tilespmem:$0x18400] =	vst v63  }
0x164: {  	v3 =	vld [tilespmem:$0x110];
	_ =	sdelay $0x4  }
0x165: {  	v17 =	vshrl.u32 v3, $0x3  }
0x166: {  	v4 =	vmul.u32 $0x18, v17  }
0x167: {  	v3 =	vand.u32 $0x7, v3  }
0x168: {  	v3 =	vor.u32 v3, v4  }
0x169: {  	v4 =	vperm.xlane v3, v0;
	_ =	sdelay $0x1  }
0x16a: {  	v4 =	vadd.s32 v1, v4;
	_ =	sdelay $0x1  }
0x16b: {  	v3 =	vperm.xlane v3, v2;
	_ =	sdelay $0x1  }
0x16c: {  	s13 =	simm.s32 $0x1C00;
	v3 =	vadd.s32 v1, v3  }
0x16d: {  	[tilespmem:s13], [sflag:$0x1] =	stream.indirect_vreg.gather [hbm4b:s3+s2], $0x80, v4, vm0, $0xb8;
	[tilespmem:$0x18400] =	vst v63  }
0x16e: {  	s13 =	simm.s32 $0x2400  }
0x16f: {  	[tilespmem:s13], [sflag:$0x1] =	stream.indirect_vreg.gather [hbm4b:s5+s2], $0x80, v4, vm1, $0xb8;
	[tilespmem:$0x18400] =	vst v63  }
0x170: {  	s10 =	simm.s32 $0x2800  }
0x171: {  	[tilespmem:s10], [sflag:$0x1] =	stream.indirect_vreg.gather [hbm4b:s3+s2], $0x80, v3, vm0, $0xb8;
	[tilespmem:$0x18400] =	vst v63  }
0x172: {  	s14 =	simm.s32 $0x3000  }
0x173: {  	[tilespmem:s14], [sflag:$0x1] =	stream.indirect_vreg.gather [hbm4b:s5+s2], $0x80, v3, vm1, $0xb8;
	[tilespmem:$0x18400] =	vst v63  }
0x174: {  	v3 =	vld [tilespmem:$0x120];
	_ =	sdelay $0x4  }
0x175: {  	v18 =	vshrl.u32 v3, $0x3  }
0x176: {  	v4 =	vmul.u32 $0x18, v18  }
0x177: {  	v3 =	vand.u32 $0x7, v3  }
0x178: {  	v3 =	vor.u32 v3, v4  }
0x179: {  	v4 =	vperm.xlane v3, v0;
	_ =	sdelay $0x1  }
0x17a: {  	v4 =	vadd.s32 v1, v4;
	_ =	sdelay $0x1  }
0x17b: {  	v3 =	vperm.xlane v3, v2;
	_ =	sdelay $0x1  }
0x17c: {  	s23 =	simm.s32 $0x3400;
	v3 =	vadd.s32 v1, v3  }
0x17d: {  	[tilespmem:s23], [sflag:$0x1] =	stream.indirect_vreg.gather [hbm4b:s3+s2], $0x80, v4, vm0, $0xb8;
	[tilespmem:$0x18400] =	vst v63  }
0x17e: {  	s24 =	simm.s32 $0x3C00  }
0x17f: {  	[tilespmem:s24], [sflag:$0x1] =	stream.indirect_vreg.gather [hbm4b:s5+s2], $0x80, v4, vm1, $0xb8;
	[tilespmem:$0x18400] =	vst v63  }
0x180: {  	s25 =	simm.s32 $0x4000  }
0x181: {  	[tilespmem:s25], [sflag:$0x1] =	stream.indirect_vreg.gather [hbm4b:s3+s2], $0x80, v3, vm0, $0xb8;
	[tilespmem:$0x18400] =	vst v63  }
0x182: {  	s15 =	simm.s32 $0x4800  }
0x183: {  	[tilespmem:s15], [sflag:$0x1] =	stream.indirect_vreg.gather [hbm4b:s5+s2], $0x80, v3, vm1, $0xb8;
	[tilespmem:$0x18400] =	vst v63  }
0x184: {  	v3 =	vld [tilespmem:$0x130];
	_ =	sdelay $0x4  }
0x185: {  	v19 =	vshrl.u32 v3, $0x3  }
0x186: {  	v4 =	vmul.u32 $0x18, v19  }
0x187: {  	v3 =	vand.u32 $0x7, v3  }
0x188: {  	v3 =	vor.u32 v3, v4  }
0x189: {  	v4 =	vperm.xlane v3, v0;
	_ =	sdelay $0x1  }
0x18a: {  	v4 =	vadd.s32 v1, v4;
	_ =	sdelay $0x1  }
0x18b: {  	v3 =	vperm.xlane v3, v2;
	_ =	sdelay $0x1  }
0x18c: {  	s26 =	simm.s32 $0x4C00;
	v3 =	vadd.s32 v1, v3  }
0x18d: {  	[tilespmem:s26], [sflag:$0x1] =	stream.indirect_vreg.gather [hbm4b:s3+s2], $0x80, v4, vm0, $0xb8;
	[tilespmem:$0x18400] =	vst v63  }
0x18e: {  	s28 =	simm.s32 $0x5400  }
0x18f: {  	[tilespmem:s28], [sflag:$0x1] =	stream.indirect_vreg.gather [hbm4b:s5+s2], $0x80, v4, vm1, $0xb8;
	[tilespmem:$0x18400] =	vst v63  }
0x190: {  	s29 =	simm.s32 $0x5800  }
0x191: {  	[tilespmem:s29], [sflag:$0x1] =	stream.indirect_vreg.gather [hbm4b:s3+s2], $0x80, v3, vm0, $0xb8;
	[tilespmem:$0x18400] =	vst v63  }
0x192: {  	s16 =	simm.s32 $0x6000  }
0x193: {  	[tilespmem:s16], [sflag:$0x1] =	stream.indirect_vreg.gather [hbm4b:s5+s2], $0x80, v3, vm1, $0xb8;
	[tilespmem:$0x18400] =	vst v63  }
0x194: {  	v3 =	vld [tilespmem:$0x140];
	_ =	sdelay $0x4  }
0x195: {  	v20 =	vshrl.u32 v3, $0x3  }
0x196: {  	v4 =	vmul.u32 $0x18, v20  }
0x197: {  	v3 =	vand.u32 $0x7, v3  }
0x198: {  	v3 =	vor.u32 v3, v4  }
0x199: {  	v4 =	vperm.xlane v3, v0;
	_ =	sdelay $0x1  }
0x19a: {  	v4 =	vadd.s32 v1, v4;
	_ =	sdelay $0x1  }
0x19b: {  	v3 =	vperm.xlane v3, v2;
	_ =	sdelay $0x1  }
0x19c: {  	s30 =	simm.s32 $0x6400;
	v3 =	vadd.s32 v1, v3  }
0x19d: {  	[tilespmem:s30], [sflag:$0x1] =	stream.indirect_vreg.gather [hbm4b:s3+s2], $0x80, v4, vm0, $0xb8;
	[tilespmem:$0x18400] =	vst v63  }
0x19e: {  	s31 =	simm.s32 $0x6C00  }
0x19f: {  	[tilespmem:s31], [sflag:$0x1] =	stream.indirect_vreg.gather [hbm4b:s5+s2], $0x80, v4, vm1, $0xb8;
	[tilespmem:$0x18400] =	vst v63  }
0x1a0: {  	s16 =	simm.s32 $0x7000  }
0x1a1: {  	[tilespmem:s16], [sflag:$0x1] =	stream.indirect_vreg.gather [hbm4b:s3+s2], $0x80, v3, vm0, $0xb8;
	[tilespmem:$0x18400] =	vst v63  }
0x1a2: {  	s17 =	simm.s32 $0x7800  }
0x1a3: {  	[tilespmem:s17], [sflag:$0x1] =	stream.indirect_vreg.gather [hbm4b:s5+s2], $0x80, v3, vm1, $0xb8;
	[tilespmem:$0x18400] =	vst v63  }
0x1a4: {  	v3 =	vld [tilespmem:$0x150];
	_ =	sdelay $0x4  }
0x1a5: {  	v21 =	vshrl.u32 v3, $0x3  }
0x1a6: {  	v4 =	vmul.u32 $0x18, v21  }
0x1a7: {  	v3 =	vand.u32 $0x7, v3  }
0x1a8: {  	v3 =	vor.u32 v3, v4  }
0x1a9: {  	v4 =	vperm.xlane v3, v0;
	_ =	sdelay $0x1  }
0x1aa: {  	v4 =	vadd.s32 v1, v4;
	_ =	sdelay $0x1  }
0x1ab: {  	v3 =	vperm.xlane v3, v2;
	_ =	sdelay $0x1  }
0x1ac: {  	s17 =	simm.s32 $0x7C00;
	v3 =	vadd.s32 v1, v3  }
0x1ad: {  	[tilespmem:s17], [sflag:$0x1] =	stream.indirect_vreg.gather [hbm4b:s3+s2], $0x80, v4, vm0, $0xb8;
	[tilespmem:$0x18400] =	vst v63  }
0x1ae: {  	s18 =	simm.s32 $0x8400  }
0x1af: {  	[tilespmem:s18], [sflag:$0x1] =	stream.indirect_vreg.gather [hbm4b:s5+s2], $0x80, v4, vm1, $0xb8;
	[tilespmem:$0x18400] =	vst v63  }
0x1b0: {  	s19 =	simm.s32 $0x8800  }
0x1b1: {  	[tilespmem:s19], [sflag:$0x1] =	stream.indirect_vreg.gather [hbm4b:s3+s2], $0x80, v3, vm0, $0xb8;
	[tilespmem:$0x18400] =	vst v63  }
0x1b2: {  	s20 =	simm.s32 $0x9000  }
0x1b3: {  	[tilespmem:s20], [sflag:$0x1] =	stream.indirect_vreg.gather [hbm4b:s5+s2], $0x80, v3, vm1, $0xb8;
	[tilespmem:$0x18400] =	vst v63  }
0x1b4: {  	v3 =	vld [tilespmem:$0x160];
	_ =	sdelay $0x4  }
0x1b5: {  	v22 =	vshrl.u32 v3, $0x3  }
0x1b6: {  	v4 =	vmul.u32 $0x18, v22  }
0x1b7: {  	v3 =	vand.u32 $0x7, v3  }
0x1b8: {  	v3 =	vor.u32 v3, v4  }
0x1b9: {  	v4 =	vperm.xlane v3, v0;
	_ =	sdelay $0x1  }
0x1ba: {  	v4 =	vadd.s32 v1, v4;
	_ =	sdelay $0x1  }
0x1bb: {  	v3 =	vperm.xlane v3, v2;
	_ =	sdelay $0x1  }
0x1bc: {  	s21 =	simm.s32 $0x9400;
	v3 =	vadd.s32 v1, v3  }
0x1bd: {  	[tilespmem:s21], [sflag:$0x1] =	stream.indirect_vreg.gather [hbm4b:s3+s2], $0x80, v4, vm0, $0xb8;
	[tilespmem:$0x18400] =	vst v63  }
0x1be: {  	s22 =	simm.s32 $0x9C00  }
0x1bf: {  	[tilespmem:s22], [sflag:$0x1] =	stream.indirect_vreg.gather [hbm4b:s5+s2], $0x80, v4, vm1, $0xb8;
	[tilespmem:$0x18400] =	vst v63  }
0x1c0: {  	s20 =	simm.s32 $0xA000  }
0x1c1: {  	[tilespmem:s20], [sflag:$0x1] =	stream.indirect_vreg.gather [hbm4b:s3+s2], $0x80, v3, vm0, $0xb8;
	[tilespmem:$0x18400] =	vst v63  }
0x1c2: {  	s15 =	simm.s32 $0xA800  }
0x1c3: {  	[tilespmem:s15], [sflag:$0x1] =	stream.indirect_vreg.gather [hbm4b:s5+s2], $0x80, v3, vm1, $0xb8;
	[tilespmem:$0x18400] =	vst v63  }
0x1c4: {  	v3 =	vld [tilespmem:$0x170];
	_ =	sdelay $0x4  }
0x1c5: {  	v23 =	vshrl.u32 v3, $0x3  }
0x1c6: {  	v4 =	vmul.u32 $0x18, v23  }
0x1c7: {  	v3 =	vand.u32 $0x7, v3  }
0x1c8: {  	v3 =	vor.u32 v3, v4  }
0x1c9: {  	v4 =	vperm.xlane v3, v0;
	_ =	sdelay $0x1  }
0x1ca: {  	v4 =	vadd.s32 v1, v4;
	_ =	sdelay $0x1  }
0x1cb: {  	v3 =	vperm.xlane v3, v2;
	_ =	sdelay $0x1  }
0x1cc: {  	s14 =	simm.s32 $0xAC00;
	v3 =	vadd.s32 v1, v3  }
0x1cd: {  	[tilespmem:s14], [sflag:$0x1] =	stream.indirect_vreg.gather [hbm4b:s3+s2], $0x80, v4, vm0, $0xb8;
	[tilespmem:$0x18400] =	vst v63  }
0x1ce: {  	s15 =	simm.s32 $0xB400  }
0x1cf: {  	[tilespmem:s15], [sflag:$0x1] =	stream.indirect_vreg.gather [hbm4b:s5+s2], $0x80, v4, vm1, $0xb8;
	[tilespmem:$0x18400] =	vst v63  }
0x1d0: {  	s11 =	simm.s32 $0xB800  }
0x1d1: {  	[tilespmem:s11], [sflag:$0x1] =	stream.indirect_vreg.gather [hbm4b:s3+s2], $0x80, v3, vm0, $0xb8;
	[tilespmem:$0x18400] =	vst v63  }
0x1d2: {  	s11 =	simm.s32 $0xC000  }
0x1d3: {  	[tilespmem:s11], [sflag:$0x1] =	stream.indirect_vreg.gather [hbm4b:s5+s2], $0x80, v3, vm1, $0xb8;
	[tilespmem:$0x18400] =	vst v63  }
0x1d4: {  	_ =	swait.ge [sflag:s8], $0xC000  }
0x1d5: {  	[sflag:s8] =	ssyncset.done $0x0  }
0x1d6: {  	s0 =	simm.s32 $0xC400;
	s11 =	rddreg [dreg:$0xd];
	[sflag:s8] =	ssyncadd.s32 $0xFFFF4000  }
0x1d7: {  	[hbm4b:s11+s12] =	stream.strided.scatter [tilespmem:s0], [sflag:$0x2], $0xC000, s7, s12, $0x38;
	[tilespmem:$0x18400] =	vst v63  }
0x1d8: {  	_ =	swait.ge [sflag:s1], $0xC000  }
0x1d9: {  	[sflag:s1] =	ssyncset.done $0x0  }
0x1da: {  	[sflag:s1] =	ssyncadd.s32 $0xFFFF4000  }
0x1db: {  	v3 =	vld [tilespmem:$0x180];
	_ =	sdelay $0x4  }
0x1dc: {  	v24 =	vshrl.u32 v3, $0x3  }
0x1dd: {  	v4 =	vmul.u32 $0x18, v24  }
0x1de: {  	v3 =	vand.u32 $0x7, v3  }
0x1df: {  	v3 =	vor.u32 v3, v4  }
0x1e0: {  	v4 =	vperm.xlane v3, v0;
	_ =	sdelay $0x1  }
0x1e1: {  	v4 =	vadd.s32 v1, v4;
	_ =	sdelay $0x1  }
0x1e2: {  	v3 =	vperm.xlane v3, v2;
	_ =	sdelay $0x1  }
0x1e3: {  	v3 =	vadd.s32 v1, v3  }
0x1e4: {  	[tilespmem:s0], [sflag:$0x1] =	stream.indirect_vreg.gather [hbm4b:s3+s2], $0x80, v4, vm0, $0xb8;
	[tilespmem:$0x18400] =	vst v63  }
0x1e5: {  	s11 =	simm.s32 $0xCC00  }
0x1e6: {  	[tilespmem:s11], [sflag:$0x1] =	stream.indirect_vreg.gather [hbm4b:s5+s2], $0x80, v4, vm1, $0xb8;
	[tilespmem:$0x18400] =	vst v63  }
0x1e7: {  	s11 =	simm.s32 $0xD000  }
0x1e8: {  	[tilespmem:s11], [sflag:$0x1] =	stream.indirect_vreg.gather [hbm4b:s3+s2], $0x80, v3, vm0, $0xb8;
	[tilespmem:$0x18400] =	vst v63  }
0x1e9: {  	s11 =	simm.s32 $0xD800  }
0x1ea: {  	[tilespmem:s11], [sflag:$0x1] =	stream.indirect_vreg.gather [hbm4b:s5+s2], $0x80, v3, vm1, $0xb8;
	[tilespmem:$0x18400] =	vst v63  }
0x1eb: {  	v3 =	vld [tilespmem:$0x190];
	_ =	sdelay $0x4  }
0x1ec: {  	v25 =	vshrl.u32 v3, $0x3  }
0x1ed: {  	v4 =	vmul.u32 $0x18, v25  }
0x1ee: {  	v3 =	vand.u32 $0x7, v3  }
0x1ef: {  	v3 =	vor.u32 v3, v4  }
0x1f0: {  	v4 =	vperm.xlane v3, v0;
	_ =	sdelay $0x1  }
0x1f1: {  	v4 =	vadd.s32 v1, v4;
	_ =	sdelay $0x1  }
0x1f2: {  	v3 =	vperm.xlane v3, v2;
	_ =	sdelay $0x1  }
0x1f3: {  	s11 =	simm.s32 $0xDC00;
	v3 =	vadd.s32 v1, v3  }
0x1f4: {  	[tilespmem:s11], [sflag:$0x1] =	stream.indirect_vreg.gather [hbm4b:s3+s2], $0x80, v4, vm0, $0xb8;
	[tilespmem:$0x18400] =	vst v63  }
0x1f5: {  	s11 =	simm.s32 $0xE400  }
0x1f6: {  	[tilespmem:s11], [sflag:$0x1] =	stream.indirect_vreg.gather [hbm4b:s5+s2], $0x80, v4, vm1, $0xb8;
	[tilespmem:$0x18400] =	vst v63  }
0x1f7: {  	s11 =	simm.s32 $0xE800  }
0x1f8: {  	[tilespmem:s11], [sflag:$0x1] =	stream.indirect_vreg.gather [hbm4b:s3+s2], $0x80, v3, vm0, $0xb8;
	[tilespmem:$0x18400] =	vst v63  }
0x1f9: {  	s11 =	simm.s32 $0xF000  }
0x1fa: {  	[tilespmem:s11], [sflag:$0x1] =	stream.indirect_vreg.gather [hbm4b:s5+s2], $0x80, v3, vm1, $0xb8;
	[tilespmem:$0x18400] =	vst v63  }
0x1fb: {  	v3 =	vld [tilespmem:$0x1A0];
	_ =	sdelay $0x4  }
0x1fc: {  	v26 =	vshrl.u32 v3, $0x3  }
0x1fd: {  	v4 =	vmul.u32 $0x18, v26  }
0x1fe: {  	v3 =	vand.u32 $0x7, v3  }
0x1ff: {  	v3 =	vor.u32 v3, v4  }
0x200: {  	v4 =	vperm.xlane v3, v0;
	_ =	sdelay $0x1  }
0x201: {  	v4 =	vadd.s32 v1, v4;
	_ =	sdelay $0x1  }
0x202: {  	v3 =	vperm.xlane v3, v2;
	_ =	sdelay $0x1  }
0x203: {  	s11 =	simm.s32 $0xF400;
	v3 =	vadd.s32 v1, v3  }
0x204: {  	[tilespmem:s11], [sflag:$0x1] =	stream.indirect_vreg.gather [hbm4b:s3+s2], $0x80, v4, vm0, $0xb8;
	[tilespmem:$0x18400] =	vst v63  }
0x205: {  	s11 =	simm.s32 $0xFC00  }
0x206: {  	[tilespmem:s11], [sflag:$0x1] =	stream.indirect_vreg.gather [hbm4b:s5+s2], $0x80, v4, vm1, $0xb8;
	[tilespmem:$0x18400] =	vst v63  }
0x207: {  	s11 =	simm.s32 $0x10000  }
0x208: {  	[tilespmem:s11], [sflag:$0x1] =	stream.indirect_vreg.gather [hbm4b:s3+s2], $0x80, v3, vm0, $0xb8;
	[tilespmem:$0x18400] =	vst v63  }
0x209: {  	s11 =	simm.s32 $0x10800  }
0x20a: {  	[tilespmem:s11], [sflag:$0x1] =	stream.indirect_vreg.gather [hbm4b:s5+s2], $0x80, v3, vm1, $0xb8;
	[tilespmem:$0x18400] =	vst v63  }
0x20b: {  	v3 =	vld [tilespmem:$0x1B0];
	_ =	sdelay $0x4  }
0x20c: {  	v27 =	vshrl.u32 v3, $0x3  }
0x20d: {  	v4 =	vmul.u32 $0x18, v27  }
0x20e: {  	v3 =	vand.u32 $0x7, v3  }
0x20f: {  	v3 =	vor.u32 v3, v4  }
0x210: {  	v4 =	vperm.xlane v3, v0;
	_ =	sdelay $0x1  }
0x211: {  	v4 =	vadd.s32 v1, v4;
	_ =	sdelay $0x1  }
0x212: {  	v3 =	vperm.xlane v3, v2;
	_ =	sdelay $0x1  }
0x213: {  	s11 =	simm.s32 $0x10C00;
	v3 =	vadd.s32 v1, v3  }
0x214: {  	[tilespmem:s11], [sflag:$0x1] =	stream.indirect_vreg.gather [hbm4b:s3+s2], $0x80, v4, vm0, $0xb8;
	[tilespmem:$0x18400] =	vst v63  }
0x215: {  	s11 =	simm.s32 $0x11400  }
0x216: {  	[tilespmem:s11], [sflag:$0x1] =	stream.indirect_vreg.gather [hbm4b:s5+s2], $0x80, v4, vm1, $0xb8;
	[tilespmem:$0x18400] =	vst v63  }
0x217: {  	s11 =	simm.s32 $0x11800  }
0x218: {  	[tilespmem:s11], [sflag:$0x1] =	stream.indirect_vreg.gather [hbm4b:s3+s2], $0x80, v3, vm0, $0xb8;
	[tilespmem:$0x18400] =	vst v63  }
0x219: {  	s11 =	simm.s32 $0x12000  }
0x21a: {  	[tilespmem:s11], [sflag:$0x1] =	stream.indirect_vreg.gather [hbm4b:s5+s2], $0x80, v3, vm1, $0xb8;
	[tilespmem:$0x18400] =	vst v63  }
0x21b: {  	v3 =	vld [tilespmem:$0x1C0];
	_ =	sdelay $0x4  }
0x21c: {  	v28 =	vshrl.u32 v3, $0x3  }
0x21d: {  	v4 =	vmul.u32 $0x18, v28  }
0x21e: {  	v3 =	vand.u32 $0x7, v3  }
0x21f: {  	v3 =	vor.u32 v3, v4  }
0x220: {  	v4 =	vperm.xlane v3, v0;
	_ =	sdelay $0x1  }
0x221: {  	v4 =	vadd.s32 v1, v4;
	_ =	sdelay $0x1  }
0x222: {  	v3 =	vperm.xlane v3, v2;
	_ =	sdelay $0x1  }
0x223: {  	s11 =	simm.s32 $0x12400;
	v3 =	vadd.s32 v1, v3  }
0x224: {  	[tilespmem:s11], [sflag:$0x1] =	stream.indirect_vreg.gather [hbm4b:s3+s2], $0x80, v4, vm0, $0xb8;
	[tilespmem:$0x18400] =	vst v63  }
0x225: {  	s11 =	simm.s32 $0x12C00  }
0x226: {  	[tilespmem:s11], [sflag:$0x1] =	stream.indirect_vreg.gather [hbm4b:s5+s2], $0x80, v4, vm1, $0xb8;
	[tilespmem:$0x18400] =	vst v63  }
0x227: {  	s11 =	simm.s32 $0x13000  }
0x228: {  	[tilespmem:s11], [sflag:$0x1] =	stream.indirect_vreg.gather [hbm4b:s3+s2], $0x80, v3, vm0, $0xb8;
	[tilespmem:$0x18400] =	vst v63  }
0x229: {  	s11 =	simm.s32 $0x13800  }
0x22a: {  	[tilespmem:s11], [sflag:$0x1] =	stream.indirect_vreg.gather [hbm4b:s5+s2], $0x80, v3, vm1, $0xb8;
	[tilespmem:$0x18400] =	vst v63  }
0x22b: {  	v3 =	vld [tilespmem:$0x1D0];
	_ =	sdelay $0x4  }
0x22c: {  	v29 =	vshrl.u32 v3, $0x3  }
0x22d: {  	v4 =	vmul.u32 $0x18, v29  }
0x22e: {  	v3 =	vand.u32 $0x7, v3  }
0x22f: {  	v3 =	vor.u32 v3, v4  }
0x230: {  	v4 =	vperm.xlane v3, v0;
	_ =	sdelay $0x1  }
0x231: {  	v4 =	vadd.s32 v1, v4;
	_ =	sdelay $0x1  }
0x232: {  	v3 =	vperm.xlane v3, v2;
	_ =	sdelay $0x1  }
0x233: {  	s11 =	simm.s32 $0x13C00;
	v3 =	vadd.s32 v1, v3  }
0x234: {  	[tilespmem:s11], [sflag:$0x1] =	stream.indirect_vreg.gather [hbm4b:s3+s2], $0x80, v4, vm0, $0xb8;
	[tilespmem:$0x18400] =	vst v63  }
0x235: {  	s11 =	simm.s32 $0x14400  }
0x236: {  	[tilespmem:s11], [sflag:$0x1] =	stream.indirect_vreg.gather [hbm4b:s5+s2], $0x80, v4, vm1, $0xb8;
	[tilespmem:$0x18400] =	vst v63  }
0x237: {  	s11 =	simm.s32 $0x14800  }
0x238: {  	[tilespmem:s11], [sflag:$0x1] =	stream.indirect_vreg.gather [hbm4b:s3+s2], $0x80, v3, vm0, $0xb8;
	[tilespmem:$0x18400] =	vst v63  }
0x239: {  	s11 =	simm.s32 $0x15000  }
0x23a: {  	[tilespmem:s11], [sflag:$0x1] =	stream.indirect_vreg.gather [hbm4b:s5+s2], $0x80, v3, vm1, $0xb8;
	[tilespmem:$0x18400] =	vst v63  }
0x23b: {  	v3 =	vld [tilespmem:$0x1E0];
	_ =	sdelay $0x4  }
0x23c: {  	v30 =	vshrl.u32 v3, $0x3  }
0x23d: {  	v4 =	vmul.u32 $0x18, v30  }
0x23e: {  	v3 =	vand.u32 $0x7, v3  }
0x23f: {  	v3 =	vor.u32 v3, v4  }
0x240: {  	v4 =	vperm.xlane v3, v0;
	_ =	sdelay $0x1  }
0x241: {  	v4 =	vadd.s32 v1, v4;
	_ =	sdelay $0x1  }
0x242: {  	v3 =	vperm.xlane v3, v2;
	_ =	sdelay $0x1  }
0x243: {  	s11 =	simm.s32 $0x15400;
	v3 =	vadd.s32 v1, v3  }
0x244: {  	[tilespmem:s11], [sflag:$0x1] =	stream.indirect_vreg.gather [hbm4b:s3+s2], $0x80, v4, vm0, $0xb8;
	[tilespmem:$0x18400] =	vst v63  }
0x245: {  	s11 =	simm.s32 $0x15C00  }
0x246: {  	[tilespmem:s11], [sflag:$0x1] =	stream.indirect_vreg.gather [hbm4b:s5+s2], $0x80, v4, vm1, $0xb8;
	[tilespmem:$0x18400] =	vst v63  }
0x247: {  	s11 =	simm.s32 $0x16000  }
0x248: {  	[tilespmem:s11], [sflag:$0x1] =	stream.indirect_vreg.gather [hbm4b:s3+s2], $0x80, v3, vm0, $0xb8;
	[tilespmem:$0x18400] =	vst v63  }
0x249: {  	s11 =	simm.s32 $0x16800  }
0x24a: {  	[tilespmem:s11], [sflag:$0x1] =	stream.indirect_vreg.gather [hbm4b:s5+s2], $0x80, v3, vm1, $0xb8;
	[tilespmem:$0x18400] =	vst v63  }
0x24b: {  	v3 =	vld [tilespmem:$0x1F0];
	_ =	sdelay $0x4  }
0x24c: {  	v31 =	vshrl.u32 v3, $0x3  }
0x24d: {  	v4 =	vmul.u32 $0x18, v31  }
0x24e: {  	v3 =	vand.u32 $0x7, v3  }
0x24f: {  	v3 =	vor.u32 v3, v4  }
0x250: {  	v4 =	vperm.xlane v3, v0;
	_ =	sdelay $0x1  }
0x251: {  	v4 =	vadd.s32 v1, v4;
	_ =	sdelay $0x1  }
0x252: {  	v3 =	vperm.xlane v3, v2;
	_ =	sdelay $0x1  }
0x253: {  	s11 =	simm.s32 $0x16C00;
	v3 =	vadd.s32 v1, v3  }
0x254: {  	[tilespmem:s11], [sflag:$0x1] =	stream.indirect_vreg.gather [hbm4b:s3+s2], $0x80, v4, vm0, $0xb8;
	[tilespmem:$0x18400] =	vst v63  }
0x255: {  	s11 =	simm.s32 $0x17400  }
0x256: {  	[tilespmem:s11], [sflag:$0x1] =	stream.indirect_vreg.gather [hbm4b:s5+s2], $0x80, v4, vm1, $0xb8;
	[tilespmem:$0x18400] =	vst v63  }
0x257: {  	s11 =	simm.s32 $0x17800  }
0x258: {  	[tilespmem:s11], [sflag:$0x1] =	stream.indirect_vreg.gather [hbm4b:s3+s2], $0x80, v3, vm0, $0xb8;
	[tilespmem:$0x18400] =	vst v63  }
0x259: {  	s11 =	simm.s32 $0x18000  }
0x25a: {  	[tilespmem:s11], [sflag:$0x1] =	stream.indirect_vreg.gather [hbm4b:s5+s2], $0x80, v3, vm1, $0xb8;
	[tilespmem:$0x18400] =	vst v63  }
0x25b: {  	_ =	swait.ge [sflag:s8], $0xC000  }
0x25c: {  	[sflag:s8] =	ssyncset.done $0x0  }
0x25d: {  	s0 =	simm.s32 $0x400;
	s11 =	rddreg [dreg:$0xe];
	[sflag:s8] =	ssyncadd.s32 $0xFFFF4000  }
0x25e: {  	[hbm4b:s11+s12] =	stream.strided.scatter [tilespmem:s0], [sflag:$0x2], $0xC000, s7, s12, $0x38;
	[tilespmem:$0x18400] =	vst v63  }
0x25f: {  	_ =	swait.ge [sflag:s1], $0xC000  }
0x260: {  	[sflag:s1] =	ssyncset.done $0x0  }
0x261: {  	[sflag:s1] =	ssyncadd.s32 $0xFFFF4000  }
0x262: {  	v3 =	vld [tilespmem:$0x200];
	_ =	sdelay $0x4  }
0x263: {  	v32 =	vshrl.u32 v3, $0x3  }
0x264: {  	v4 =	vmul.u32 $0x18, v32  }
0x265: {  	v3 =	vand.u32 $0x7, v3  }
0x266: {  	v3 =	vor.u32 v3, v4  }
0x267: {  	v4 =	vperm.xlane v3, v0;
	_ =	sdelay $0x1  }
0x268: {  	v4 =	vadd.s32 v1, v4;
	_ =	sdelay $0x1  }
0x269: {  	v3 =	vperm.xlane v3, v2;
	_ =	sdelay $0x1  }
0x26a: {  	v3 =	vadd.s32 v1, v3  }
0x26b: {  	[tilespmem:s0], [sflag:$0x1] =	stream.indirect_vreg.gather [hbm4b:s4+s2], $0x80, v4, vm0, $0xb8;
	[tilespmem:$0x18400] =	vst v63  }
0x26c: {  	_ = 	snop  }
0x26d: {  	[tilespmem:s12], [sflag:$0x1] =	stream.indirect_vreg.gather [hbm4b:s6+s2], $0x80, v4, vm1, $0xb8;
	[tilespmem:$0x18400] =	vst v63  }
0x26e: {  	s11 =	simm.s32 $0x1000  }
0x26f: {  	[tilespmem:s11], [sflag:$0x1] =	stream.indirect_vreg.gather [hbm4b:s4+s2], $0x80, v3, vm0, $0xb8;
	[tilespmem:$0x18400] =	vst v63  }
0x270: {  	_ = 	snop  }
0x271: {  	[tilespmem:s7], [sflag:$0x1] =	stream.indirect_vreg.gather [hbm4b:s6+s2], $0x80, v3, vm1, $0xb8;
	[tilespmem:$0x18400] =	vst v63  }
0x272: {  	v3 =	vld [tilespmem:$0x210];
	_ =	sdelay $0x4  }
0x273: {  	v33 =	vshrl.u32 v3, $0x3  }
0x274: {  	v4 =	vmul.u32 $0x18, v33  }
0x275: {  	v3 =	vand.u32 $0x7, v3  }
0x276: {  	v3 =	vor.u32 v3, v4  }
0x277: {  	v4 =	vperm.xlane v3, v0;
	_ =	sdelay $0x1  }
0x278: {  	v4 =	vadd.s32 v1, v4;
	_ =	sdelay $0x1  }
0x279: {  	v3 =	vperm.xlane v3, v2;
	_ =	sdelay $0x1  }
0x27a: {  	s11 =	simm.s32 $0x1C00;
	v3 =	vadd.s32 v1, v3  }
0x27b: {  	[tilespmem:s11], [sflag:$0x1] =	stream.indirect_vreg.gather [hbm4b:s4+s2], $0x80, v4, vm0, $0xb8;
	[tilespmem:$0x18400] =	vst v63  }
0x27c: {  	_ = 	snop  }
0x27d: {  	[tilespmem:s13], [sflag:$0x1] =	stream.indirect_vreg.gather [hbm4b:s6+s2], $0x80, v4, vm1, $0xb8;
	[tilespmem:$0x18400] =	vst v63  }
0x27e: {  	_ = 	snop  }
0x27f: {  	[tilespmem:s10], [sflag:$0x1] =	stream.indirect_vreg.gather [hbm4b:s4+s2], $0x80, v3, vm0, $0xb8;
	[tilespmem:$0x18400] =	vst v63  }
0x280: {  	s13 =	simm.s32 $0x3000  }
0x281: {  	[tilespmem:s13], [sflag:$0x1] =	stream.indirect_vreg.gather [hbm4b:s6+s2], $0x80, v3, vm1, $0xb8;
	[tilespmem:$0x18400] =	vst v63  }
0x282: {  	v3 =	vld [tilespmem:$0x220];
	_ =	sdelay $0x4  }
0x283: {  	v34 =	vshrl.u32 v3, $0x3  }
0x284: {  	v4 =	vmul.u32 $0x18, v34  }
0x285: {  	v3 =	vand.u32 $0x7, v3  }
0x286: {  	v3 =	vor.u32 v3, v4  }
0x287: {  	v4 =	vperm.xlane v3, v0;
	_ =	sdelay $0x1  }
0x288: {  	v4 =	vadd.s32 v1, v4;
	_ =	sdelay $0x1  }
0x289: {  	v3 =	vperm.xlane v3, v2;
	_ =	sdelay $0x1  }
0x28a: {  	v3 =	vadd.s32 v1, v3  }
0x28b: {  	[tilespmem:s23], [sflag:$0x1] =	stream.indirect_vreg.gather [hbm4b:s4+s2], $0x80, v4, vm0, $0xb8;
	[tilespmem:$0x18400] =	vst v63  }
0x28c: {  	_ = 	snop  }
0x28d: {  	[tilespmem:s24], [sflag:$0x1] =	stream.indirect_vreg.gather [hbm4b:s6+s2], $0x80, v4, vm1, $0xb8;
	[tilespmem:$0x18400] =	vst v63  }
0x28e: {  	_ = 	snop  }
0x28f: {  	[tilespmem:s25], [sflag:$0x1] =	stream.indirect_vreg.gather [hbm4b:s4+s2], $0x80, v3, vm0, $0xb8;
	[tilespmem:$0x18400] =	vst v63  }
0x290: {  	s25 =	simm.s32 $0x4800  }
0x291: {  	[tilespmem:s25], [sflag:$0x1] =	stream.indirect_vreg.gather [hbm4b:s6+s2], $0x80, v3, vm1, $0xb8;
	[tilespmem:$0x18400] =	vst v63  }
0x292: {  	v3 =	vld [tilespmem:$0x230];
	_ =	sdelay $0x4  }
0x293: {  	v35 =	vshrl.u32 v3, $0x3  }
0x294: {  	v4 =	vmul.u32 $0x18, v35  }
0x295: {  	v3 =	vand.u32 $0x7, v3  }
0x296: {  	v3 =	vor.u32 v3, v4  }
0x297: {  	v4 =	vperm.xlane v3, v0;
	_ =	sdelay $0x1  }
0x298: {  	v4 =	vadd.s32 v1, v4;
	_ =	sdelay $0x1  }
0x299: {  	v3 =	vperm.xlane v3, v2;
	_ =	sdelay $0x1  }
0x29a: {  	v3 =	vadd.s32 v1, v3  }
0x29b: {  	[tilespmem:s26], [sflag:$0x1] =	stream.indirect_vreg.gather [hbm4b:s4+s2], $0x80, v4, vm0, $0xb8;
	[tilespmem:$0x18400] =	vst v63  }
0x29c: {  	_ = 	snop  }
0x29d: {  	[tilespmem:s28], [sflag:$0x1] =	stream.indirect_vreg.gather [hbm4b:s6+s2], $0x80, v4, vm1, $0xb8;
	[tilespmem:$0x18400] =	vst v63  }
0x29e: {  	_ = 	snop  }
0x29f: {  	[tilespmem:s29], [sflag:$0x1] =	stream.indirect_vreg.gather [hbm4b:s4+s2], $0x80, v3, vm0, $0xb8;
	[tilespmem:$0x18400] =	vst v63  }
0x2a0: {  	s10 =	simm.s32 $0x6000  }
0x2a1: {  	[tilespmem:s10], [sflag:$0x1] =	stream.indirect_vreg.gather [hbm4b:s6+s2], $0x80, v3, vm1, $0xb8;
	[tilespmem:$0x18400] =	vst v63  }
0x2a2: {  	v3 =	vld [tilespmem:$0x240];
	_ =	sdelay $0x4  }
0x2a3: {  	v36 =	vshrl.u32 v3, $0x3  }
0x2a4: {  	v4 =	vmul.u32 $0x18, v36  }
0x2a5: {  	v3 =	vand.u32 $0x7, v3  }
0x2a6: {  	v3 =	vor.u32 v3, v4  }
0x2a7: {  	v4 =	vperm.xlane v3, v0;
	_ =	sdelay $0x1  }
0x2a8: {  	v4 =	vadd.s32 v1, v4;
	_ =	sdelay $0x1  }
0x2a9: {  	v3 =	vperm.xlane v3, v2;
	_ =	sdelay $0x1  }
0x2aa: {  	v3 =	vadd.s32 v1, v3  }
0x2ab: {  	[tilespmem:s30], [sflag:$0x1] =	stream.indirect_vreg.gather [hbm4b:s4+s2], $0x80, v4, vm0, $0xb8;
	[tilespmem:$0x18400] =	vst v63  }
0x2ac: {  	_ = 	snop  }
0x2ad: {  	[tilespmem:s31], [sflag:$0x1] =	stream.indirect_vreg.gather [hbm4b:s6+s2], $0x80, v4, vm1, $0xb8;
	[tilespmem:$0x18400] =	vst v63  }
0x2ae: {  	_ = 	snop  }
0x2af: {  	[tilespmem:s16], [sflag:$0x1] =	stream.indirect_vreg.gather [hbm4b:s4+s2], $0x80, v3, vm0, $0xb8;
	[tilespmem:$0x18400] =	vst v63  }
0x2b0: {  	s11 =	simm.s32 $0x7800  }
0x2b1: {  	[tilespmem:s11], [sflag:$0x1] =	stream.indirect_vreg.gather [hbm4b:s6+s2], $0x80, v3, vm1, $0xb8;
	[tilespmem:$0x18400] =	vst v63  }
0x2b2: {  	v3 =	vld [tilespmem:$0x250];
	_ =	sdelay $0x4  }
0x2b3: {  	v37 =	vshrl.u32 v3, $0x3  }
0x2b4: {  	v4 =	vmul.u32 $0x18, v37  }
0x2b5: {  	v3 =	vand.u32 $0x7, v3  }
0x2b6: {  	v3 =	vor.u32 v3, v4  }
0x2b7: {  	v4 =	vperm.xlane v3, v0;
	_ =	sdelay $0x1  }
0x2b8: {  	v4 =	vadd.s32 v1, v4;
	_ =	sdelay $0x1  }
0x2b9: {  	v3 =	vperm.xlane v3, v2;
	_ =	sdelay $0x1  }
0x2ba: {  	v3 =	vadd.s32 v1, v3  }
0x2bb: {  	[tilespmem:s17], [sflag:$0x1] =	stream.indirect_vreg.gather [hbm4b:s4+s2], $0x80, v4, vm0, $0xb8;
	[tilespmem:$0x18400] =	vst v63  }
0x2bc: {  	_ = 	snop  }
0x2bd: {  	[tilespmem:s18], [sflag:$0x1] =	stream.indirect_vreg.gather [hbm4b:s6+s2], $0x80, v4, vm1, $0xb8;
	[tilespmem:$0x18400] =	vst v63  }
0x2be: {  	_ = 	snop  }
0x2bf: {  	[tilespmem:s19], [sflag:$0x1] =	stream.indirect_vreg.gather [hbm4b:s4+s2], $0x80, v3, vm0, $0xb8;
	[tilespmem:$0x18400] =	vst v63  }
0x2c0: {  	s13 =	simm.s32 $0x9000  }
0x2c1: {  	[tilespmem:s13], [sflag:$0x1] =	stream.indirect_vreg.gather [hbm4b:s6+s2], $0x80, v3, vm1, $0xb8;
	[tilespmem:$0x18400] =	vst v63  }
0x2c2: {  	v3 =	vld [tilespmem:$0x260];
	_ =	sdelay $0x4  }
0x2c3: {  	v38 =	vshrl.u32 v3, $0x3  }
0x2c4: {  	v4 =	vmul.u32 $0x18, v38  }
0x2c5: {  	v3 =	vand.u32 $0x7, v3  }
0x2c6: {  	v3 =	vor.u32 v3, v4  }
0x2c7: {  	v4 =	vperm.xlane v3, v0;
	_ =	sdelay $0x1  }
0x2c8: {  	v4 =	vadd.s32 v1, v4;
	_ =	sdelay $0x1  }
0x2c9: {  	v3 =	vperm.xlane v3, v2;
	_ =	sdelay $0x1  }
0x2ca: {  	v3 =	vadd.s32 v1, v3  }
0x2cb: {  	[tilespmem:s21], [sflag:$0x1] =	stream.indirect_vreg.gather [hbm4b:s4+s2], $0x80, v4, vm0, $0xb8;
	[tilespmem:$0x18400] =	vst v63  }
0x2cc: {  	_ = 	snop  }
0x2cd: {  	[tilespmem:s22], [sflag:$0x1] =	stream.indirect_vreg.gather [hbm4b:s6+s2], $0x80, v4, vm1, $0xb8;
	[tilespmem:$0x18400] =	vst v63  }
0x2ce: {  	_ = 	snop  }
0x2cf: {  	[tilespmem:s20], [sflag:$0x1] =	stream.indirect_vreg.gather [hbm4b:s4+s2], $0x80, v3, vm0, $0xb8;
	[tilespmem:$0x18400] =	vst v63  }
0x2d0: {  	s31 =	simm.s32 $0xA800  }
0x2d1: {  	[tilespmem:s31], [sflag:$0x1] =	stream.indirect_vreg.gather [hbm4b:s6+s2], $0x80, v3, vm1, $0xb8;
	[tilespmem:$0x18400] =	vst v63  }
0x2d2: {  	v3 =	vld [tilespmem:$0x270];
	_ =	sdelay $0x4  }
0x2d3: {  	v39 =	vshrl.u32 v3, $0x3  }
0x2d4: {  	v4 =	vmul.u32 $0x18, v39  }
0x2d5: {  	v3 =	vand.u32 $0x7, v3  }
0x2d6: {  	v3 =	vor.u32 v3, v4  }
0x2d7: {  	v4 =	vperm.xlane v3, v0;
	_ =	sdelay $0x1  }
0x2d8: {  	v4 =	vadd.s32 v1, v4;
	_ =	sdelay $0x1  }
0x2d9: {  	v3 =	vperm.xlane v3, v2;
	_ =	sdelay $0x1  }
0x2da: {  	v3 =	vadd.s32 v1, v3  }
0x2db: {  	[tilespmem:s14], [sflag:$0x1] =	stream.indirect_vreg.gather [hbm4b:s4+s2], $0x80, v4, vm0, $0xb8;
	[tilespmem:$0x18400] =	vst v63  }
0x2dc: {  	_ = 	snop  }
0x2dd: {  	[tilespmem:s15], [sflag:$0x1] =	stream.indirect_vreg.gather [hbm4b:s6+s2], $0x80, v4, vm1, $0xb8;
	[tilespmem:$0x18400] =	vst v63  }
0x2de: {  	s31 =	simm.s32 $0xB800  }
0x2df: {  	[tilespmem:s31], [sflag:$0x1] =	stream.indirect_vreg.gather [hbm4b:s4+s2], $0x80, v3, vm0, $0xb8;
	[tilespmem:$0x18400] =	vst v63  }
0x2e0: {  	s13 =	simm.s32 $0xC000  }
0x2e1: {  	[tilespmem:s13], [sflag:$0x1] =	stream.indirect_vreg.gather [hbm4b:s6+s2], $0x80, v3, vm1, $0xb8;
	[tilespmem:$0x18400] =	vst v63  }
0x2e2: {  	_ =	swait.ge [sflag:s8], $0xC000  }
0x2e3: {  	[sflag:s8] =	ssyncset.done $0x0  }
0x2e4: {  	s14 =	simm.s32 $0xC400;
	s10 =	rddreg [dreg:$0xf];
	[sflag:s8] =	ssyncadd.s32 $0xFFFF4000  }
0x2e5: {  	[hbm4b:s10+s12] =	stream.strided.scatter [tilespmem:s14], [sflag:$0x2], $0xC000, s7, s12, $0x38;
	[tilespmem:$0x18400] =	vst v63  }
0x2e6: {  	_ =	swait.ge [sflag:s1], $0xC000  }
0x2e7: {  	[sflag:s1] =	ssyncset.done $0x0  }
0x2e8: {  	[sflag:s1] =	ssyncadd.s32 $0xFFFF4000  }
0x2e9: {  	v3 =	vld [tilespmem:$0x280];
	_ =	sdelay $0x4  }
0x2ea: {  	v40 =	vshrl.u32 v3, $0x3  }
0x2eb: {  	v4 =	vmul.u32 $0x18, v40  }
0x2ec: {  	v3 =	vand.u32 $0x7, v3  }
0x2ed: {  	v3 =	vor.u32 v3, v4  }
0x2ee: {  	v4 =	vperm.xlane v3, v0;
	_ =	sdelay $0x1  }
0x2ef: {  	v4 =	vadd.s32 v1, v4;
	_ =	sdelay $0x1  }
0x2f0: {  	v3 =	vperm.xlane v3, v2;
	_ =	sdelay $0x1  }
0x2f1: {  	v3 =	vadd.s32 v1, v3  }
0x2f2: {  	[tilespmem:s14], [sflag:$0x1] =	stream.indirect_vreg.gather [hbm4b:s4+s2], $0x80, v4, vm0, $0xb8;
	[tilespmem:$0x18400] =	vst v63  }
0x2f3: {  	s0 =	simm.s32 $0xCC00  }
0x2f4: {  	[tilespmem:s0], [sflag:$0x1] =	stream.indirect_vreg.gather [hbm4b:s6+s2], $0x80, v4, vm1, $0xb8;
	[tilespmem:$0x18400] =	vst v63  }
0x2f5: {  	s10 =	simm.s32 $0xD000  }
0x2f6: {  	[tilespmem:s10], [sflag:$0x1] =	stream.indirect_vreg.gather [hbm4b:s4+s2], $0x80, v3, vm0, $0xb8;
	[tilespmem:$0x18400] =	vst v63  }
0x2f7: {  	s15 =	simm.s32 $0xD800  }
0x2f8: {  	[tilespmem:s15], [sflag:$0x1] =	stream.indirect_vreg.gather [hbm4b:s6+s2], $0x80, v3, vm1, $0xb8;
	[tilespmem:$0x18400] =	vst v63  }
0x2f9: {  	v3 =	vld [tilespmem:$0x290];
	_ =	sdelay $0x4  }
0x2fa: {  	v41 =	vshrl.u32 v3, $0x3  }
0x2fb: {  	v4 =	vmul.u32 $0x18, v41  }
0x2fc: {  	v3 =	vand.u32 $0x7, v3  }
0x2fd: {  	v3 =	vor.u32 v3, v4  }
0x2fe: {  	v4 =	vperm.xlane v3, v0;
	_ =	sdelay $0x1  }
0x2ff: {  	v4 =	vadd.s32 v1, v4;
	_ =	sdelay $0x1  }
0x300: {  	v3 =	vperm.xlane v3, v2;
	_ =	sdelay $0x1  }
0x301: {  	s15 =	simm.s32 $0xDC00;
	v3 =	vadd.s32 v1, v3  }
0x302: {  	[tilespmem:s15], [sflag:$0x1] =	stream.indirect_vreg.gather [hbm4b:s4+s2], $0x80, v4, vm0, $0xb8;
	[tilespmem:$0x18400] =	vst v63  }
0x303: {  	s15 =	simm.s32 $0xE400  }
0x304: {  	[tilespmem:s15], [sflag:$0x1] =	stream.indirect_vreg.gather [hbm4b:s6+s2], $0x80, v4, vm1, $0xb8;
	[tilespmem:$0x18400] =	vst v63  }
0x305: {  	s15 =	simm.s32 $0xE800  }
0x306: {  	[tilespmem:s15], [sflag:$0x1] =	stream.indirect_vreg.gather [hbm4b:s4+s2], $0x80, v3, vm0, $0xb8;
	[tilespmem:$0x18400] =	vst v63  }
0x307: {  	s15 =	simm.s32 $0xF000  }
0x308: {  	[tilespmem:s15], [sflag:$0x1] =	stream.indirect_vreg.gather [hbm4b:s6+s2], $0x80, v3, vm1, $0xb8;
	[tilespmem:$0x18400] =	vst v63  }
0x309: {  	v3 =	vld [tilespmem:$0x2A0];
	_ =	sdelay $0x4  }
0x30a: {  	v42 =	vshrl.u32 v3, $0x3  }
0x30b: {  	v4 =	vmul.u32 $0x18, v42  }
0x30c: {  	v3 =	vand.u32 $0x7, v3  }
0x30d: {  	v3 =	vor.u32 v3, v4  }
0x30e: {  	v4 =	vperm.xlane v3, v0;
	_ =	sdelay $0x1  }
0x30f: {  	v4 =	vadd.s32 v1, v4;
	_ =	sdelay $0x1  }
0x310: {  	v3 =	vperm.xlane v3, v2;
	_ =	sdelay $0x1  }
0x311: {  	s15 =	simm.s32 $0xF400;
	v3 =	vadd.s32 v1, v3  }
0x312: {  	[tilespmem:s15], [sflag:$0x1] =	stream.indirect_vreg.gather [hbm4b:s4+s2], $0x80, v4, vm0, $0xb8;
	[tilespmem:$0x18400] =	vst v63  }
0x313: {  	s15 =	simm.s32 $0xFC00  }
0x314: {  	[tilespmem:s15], [sflag:$0x1] =	stream.indirect_vreg.gather [hbm4b:s6+s2], $0x80, v4, vm1, $0xb8;
	[tilespmem:$0x18400] =	vst v63  }
0x315: {  	s15 =	simm.s32 $0x10000  }
0x316: {  	[tilespmem:s15], [sflag:$0x1] =	stream.indirect_vreg.gather [hbm4b:s4+s2], $0x80, v3, vm0, $0xb8;
	[tilespmem:$0x18400] =	vst v63  }
0x317: {  	s15 =	simm.s32 $0x10800  }
0x318: {  	[tilespmem:s15], [sflag:$0x1] =	stream.indirect_vreg.gather [hbm4b:s6+s2], $0x80, v3, vm1, $0xb8;
	[tilespmem:$0x18400] =	vst v63  }
0x319: {  	v3 =	vld [tilespmem:$0x2B0];
	_ =	sdelay $0x4  }
0x31a: {  	v43 =	vshrl.u32 v3, $0x3  }
0x31b: {  	v4 =	vmul.u32 $0x18, v43  }
0x31c: {  	v3 =	vand.u32 $0x7, v3  }
0x31d: {  	v3 =	vor.u32 v3, v4  }
0x31e: {  	v4 =	vperm.xlane v3, v0;
	_ =	sdelay $0x1  }
0x31f: {  	v4 =	vadd.s32 v1, v4;
	_ =	sdelay $0x1  }
0x320: {  	v3 =	vperm.xlane v3, v2;
	_ =	sdelay $0x1  }
0x321: {  	s15 =	simm.s32 $0x10C00;
	v3 =	vadd.s32 v1, v3  }
0x322: {  	[tilespmem:s15], [sflag:$0x1] =	stream.indirect_vreg.gather [hbm4b:s4+s2], $0x80, v4, vm0, $0xb8;
	[tilespmem:$0x18400] =	vst v63  }
0x323: {  	s15 =	simm.s32 $0x11400  }
0x324: {  	[tilespmem:s15], [sflag:$0x1] =	stream.indirect_vreg.gather [hbm4b:s6+s2], $0x80, v4, vm1, $0xb8;
	[tilespmem:$0x18400] =	vst v63  }
0x325: {  	s15 =	simm.s32 $0x11800  }
0x326: {  	[tilespmem:s15], [sflag:$0x1] =	stream.indirect_vreg.gather [hbm4b:s4+s2], $0x80, v3, vm0, $0xb8;
	[tilespmem:$0x18400] =	vst v63  }
0x327: {  	s15 =	simm.s32 $0x12000  }
0x328: {  	[tilespmem:s15], [sflag:$0x1] =	stream.indirect_vreg.gather [hbm4b:s6+s2], $0x80, v3, vm1, $0xb8;
	[tilespmem:$0x18400] =	vst v63  }
0x329: {  	v3 =	vld [tilespmem:$0x2C0];
	_ =	sdelay $0x4  }
0x32a: {  	v44 =	vshrl.u32 v3, $0x3  }
0x32b: {  	v4 =	vmul.u32 $0x18, v44  }
0x32c: {  	v3 =	vand.u32 $0x7, v3  }
0x32d: {  	v3 =	vor.u32 v3, v4  }
0x32e: {  	v4 =	vperm.xlane v3, v0;
	_ =	sdelay $0x1  }
0x32f: {  	v4 =	vadd.s32 v1, v4;
	_ =	sdelay $0x1  }
0x330: {  	v3 =	vperm.xlane v3, v2;
	_ =	sdelay $0x1  }
0x331: {  	s15 =	simm.s32 $0x12400;
	v3 =	vadd.s32 v1, v3  }
0x332: {  	[tilespmem:s15], [sflag:$0x1] =	stream.indirect_vreg.gather [hbm4b:s4+s2], $0x80, v4, vm0, $0xb8;
	[tilespmem:$0x18400] =	vst v63  }
0x333: {  	s15 =	simm.s32 $0x12C00  }
0x334: {  	[tilespmem:s15], [sflag:$0x1] =	stream.indirect_vreg.gather [hbm4b:s6+s2], $0x80, v4, vm1, $0xb8;
	[tilespmem:$0x18400] =	vst v63  }
0x335: {  	s15 =	simm.s32 $0x13000  }
0x336: {  	[tilespmem:s15], [sflag:$0x1] =	stream.indirect_vreg.gather [hbm4b:s4+s2], $0x80, v3, vm0, $0xb8;
	[tilespmem:$0x18400] =	vst v63  }
0x337: {  	s15 =	simm.s32 $0x13800  }
0x338: {  	[tilespmem:s15], [sflag:$0x1] =	stream.indirect_vreg.gather [hbm4b:s6+s2], $0x80, v3, vm1, $0xb8;
	[tilespmem:$0x18400] =	vst v63  }
0x339: {  	v3 =	vld [tilespmem:$0x2D0];
	_ =	sdelay $0x4  }
0x33a: {  	v45 =	vshrl.u32 v3, $0x3  }
0x33b: {  	v4 =	vmul.u32 $0x18, v45  }
0x33c: {  	v3 =	vand.u32 $0x7, v3  }
0x33d: {  	v3 =	vor.u32 v3, v4  }
0x33e: {  	v4 =	vperm.xlane v3, v0;
	_ =	sdelay $0x1  }
0x33f: {  	v4 =	vadd.s32 v1, v4;
	_ =	sdelay $0x1  }
0x340: {  	v3 =	vperm.xlane v3, v2;
	_ =	sdelay $0x1  }
0x341: {  	s15 =	simm.s32 $0x13C00;
	v3 =	vadd.s32 v1, v3  }
0x342: {  	[tilespmem:s15], [sflag:$0x1] =	stream.indirect_vreg.gather [hbm4b:s4+s2], $0x80, v4, vm0, $0xb8;
	[tilespmem:$0x18400] =	vst v63  }
0x343: {  	s15 =	simm.s32 $0x14400  }
0x344: {  	[tilespmem:s15], [sflag:$0x1] =	stream.indirect_vreg.gather [hbm4b:s6+s2], $0x80, v4, vm1, $0xb8;
	[tilespmem:$0x18400] =	vst v63  }
0x345: {  	s15 =	simm.s32 $0x14800  }
0x346: {  	[tilespmem:s15], [sflag:$0x1] =	stream.indirect_vreg.gather [hbm4b:s4+s2], $0x80, v3, vm0, $0xb8;
	[tilespmem:$0x18400] =	vst v63  }
0x347: {  	s15 =	simm.s32 $0x15000  }
0x348: {  	[tilespmem:s15], [sflag:$0x1] =	stream.indirect_vreg.gather [hbm4b:s6+s2], $0x80, v3, vm1, $0xb8;
	[tilespmem:$0x18400] =	vst v63  }
0x349: {  	v3 =	vld [tilespmem:$0x2E0];
	_ =	sdelay $0x4  }
0x34a: {  	v46 =	vshrl.u32 v3, $0x3  }
0x34b: {  	v4 =	vmul.u32 $0x18, v46  }
0x34c: {  	v3 =	vand.u32 $0x7, v3  }
0x34d: {  	v3 =	vor.u32 v3, v4  }
0x34e: {  	v4 =	vperm.xlane v3, v0;
	_ =	sdelay $0x1  }
0x34f: {  	v4 =	vadd.s32 v1, v4;
	_ =	sdelay $0x1  }
0x350: {  	v3 =	vperm.xlane v3, v2;
	_ =	sdelay $0x1  }
0x351: {  	s15 =	simm.s32 $0x15400;
	v3 =	vadd.s32 v1, v3  }
0x352: {  	[tilespmem:s15], [sflag:$0x1] =	stream.indirect_vreg.gather [hbm4b:s4+s2], $0x80, v4, vm0, $0xb8;
	[tilespmem:$0x18400] =	vst v63  }
0x353: {  	s15 =	simm.s32 $0x15C00  }
0x354: {  	[tilespmem:s15], [sflag:$0x1] =	stream.indirect_vreg.gather [hbm4b:s6+s2], $0x80, v4, vm1, $0xb8;
	[tilespmem:$0x18400] =	vst v63  }
0x355: {  	s15 =	simm.s32 $0x16000  }
0x356: {  	[tilespmem:s15], [sflag:$0x1] =	stream.indirect_vreg.gather [hbm4b:s4+s2], $0x80, v3, vm0, $0xb8;
	[tilespmem:$0x18400] =	vst v63  }
0x357: {  	s15 =	simm.s32 $0x16800  }
0x358: {  	[tilespmem:s15], [sflag:$0x1] =	stream.indirect_vreg.gather [hbm4b:s6+s2], $0x80, v3, vm1, $0xb8;
	[tilespmem:$0x18400] =	vst v63  }
0x359: {  	v3 =	vld [tilespmem:$0x2F0];
	_ =	sdelay $0x4  }
0x35a: {  	v47 =	vshrl.u32 v3, $0x3  }
0x35b: {  	v4 =	vmul.u32 $0x18, v47  }
0x35c: {  	v3 =	vand.u32 $0x7, v3  }
0x35d: {  	v3 =	vor.u32 v3, v4  }
0x35e: {  	v4 =	vperm.xlane v3, v0;
	_ =	sdelay $0x1  }
0x35f: {  	v4 =	vadd.s32 v1, v4;
	_ =	sdelay $0x1  }
0x360: {  	v3 =	vperm.xlane v3, v2;
	_ =	sdelay $0x1  }
0x361: {  	s15 =	simm.s32 $0x16C00;
	v3 =	vadd.s32 v1, v3  }
0x362: {  	[tilespmem:s15], [sflag:$0x1] =	stream.indirect_vreg.gather [hbm4b:s4+s2], $0x80, v4, vm0, $0xb8;
	[tilespmem:$0x18400] =	vst v63  }
0x363: {  	s15 =	simm.s32 $0x17400  }
0x364: {  	[tilespmem:s15], [sflag:$0x1] =	stream.indirect_vreg.gather [hbm4b:s6+s2], $0x80, v4, vm1, $0xb8;
	[tilespmem:$0x18400] =	vst v63  }
0x365: {  	s15 =	simm.s32 $0x17800  }
0x366: {  	[tilespmem:s15], [sflag:$0x1] =	stream.indirect_vreg.gather [hbm4b:s4+s2], $0x80, v3, vm0, $0xb8;
	[tilespmem:$0x18400] =	vst v63  }
0x367: {  	s15 =	simm.s32 $0x18000  }
0x368: {  	[tilespmem:s15], [sflag:$0x1] =	stream.indirect_vreg.gather [hbm4b:s6+s2], $0x80, v3, vm1, $0xb8;
	[tilespmem:$0x18400] =	vst v63  }
0x369: {  	_ =	swait.ge [sflag:s8], $0xC000  }
0x36a: {  	[sflag:s8] =	ssyncset.done $0x0  }
0x36b: {  	s15 =	simm.s32 $0x400;
	s11 =	rddreg [dreg:$0x10];
	[sflag:s8] =	ssyncadd.s32 $0xFFFF4000  }
0x36c: {  	[hbm4b:s11+s12] =	stream.strided.scatter [tilespmem:s15], [sflag:$0x2], $0xC000, s7, s12, $0x38;
	[tilespmem:$0x18400] =	vst v63  }
0x36d: {  	_ =	swait.ge [sflag:s1], $0xC000  }
0x36e: {  	[sflag:s1] =	ssyncset.done $0x0  }
0x36f: {  	[sflag:s1] =	ssyncadd.s32 $0xFFFF4000  }
0x370: {  	v3 =	vld [tilespmem:$0x300];
	_ =	sdelay $0x4  }
0x371: {  	v48 =	vshrl.u32 v3, $0x3  }
0x372: {  	v4 =	vmul.u32 $0x18, v48  }
0x373: {  	v3 =	vand.u32 $0x7, v3  }
0x374: {  	v3 =	vor.u32 v3, v4  }
0x375: {  	v4 =	vperm.xlane v3, v0;
	_ =	sdelay $0x1  }
0x376: {  	v4 =	vadd.s32 v1, v4;
	_ =	sdelay $0x1  }
0x377: {  	v3 =	vperm.xlane v3, v2;
	_ =	sdelay $0x1  }
0x378: {  	v3 =	vadd.s32 v1, v3  }
0x379: {  	[tilespmem:s15], [sflag:$0x1] =	stream.indirect_vreg.gather [hbm4b:s4+s2], $0x80, v4, vm0, $0xb8;
	[tilespmem:$0x18400] =	vst v63  }
0x37a: {  	_ = 	snop  }
0x37b: {  	[tilespmem:s12], [sflag:$0x1] =	stream.indirect_vreg.gather [hbm4b:s6+s2], $0x80, v4, vm1, $0xb8;
	[tilespmem:$0x18400] =	vst v63  }
0x37c: {  	s11 =	simm.s32 $0x1000  }
0x37d: {  	[tilespmem:s11], [sflag:$0x1] =	stream.indirect_vreg.gather [hbm4b:s4+s2], $0x80, v3, vm0, $0xb8;
	[tilespmem:$0x18400] =	vst v63  }
0x37e: {  	_ = 	snop  }
0x37f: {  	[tilespmem:s7], [sflag:$0x1] =	stream.indirect_vreg.gather [hbm4b:s6+s2], $0x80, v3, vm1, $0xb8;
	[tilespmem:$0x18400] =	vst v63  }
0x380: {  	v3 =	vld [tilespmem:$0x310];
	_ =	sdelay $0x4  }
0x381: {  	v49 =	vshrl.u32 v3, $0x3  }
0x382: {  	v4 =	vmul.u32 $0x18, v49  }
0x383: {  	v3 =	vand.u32 $0x7, v3  }
0x384: {  	v3 =	vor.u32 v3, v4  }
0x385: {  	v4 =	vperm.xlane v3, v0;
	_ =	sdelay $0x1  }
0x386: {  	v4 =	vadd.s32 v1, v4;
	_ =	sdelay $0x1  }
0x387: {  	v3 =	vperm.xlane v3, v2;
	_ =	sdelay $0x1  }
0x388: {  	s11 =	simm.s32 $0x1C00;
	v3 =	vadd.s32 v1, v3  }
0x389: {  	[tilespmem:s11], [sflag:$0x1] =	stream.indirect_vreg.gather [hbm4b:s4+s2], $0x80, v4, vm0, $0xb8;
	[tilespmem:$0x18400] =	vst v63  }
0x38a: {  	s11 =	simm.s32 $0x2400  }
0x38b: {  	[tilespmem:s11], [sflag:$0x1] =	stream.indirect_vreg.gather [hbm4b:s6+s2], $0x80, v4, vm1, $0xb8;
	[tilespmem:$0x18400] =	vst v63  }
0x38c: {  	s11 =	simm.s32 $0x2800  }
0x38d: {  	[tilespmem:s11], [sflag:$0x1] =	stream.indirect_vreg.gather [hbm4b:s4+s2], $0x80, v3, vm0, $0xb8;
	[tilespmem:$0x18400] =	vst v63  }
0x38e: {  	s11 =	simm.s32 $0x3000  }
0x38f: {  	[tilespmem:s11], [sflag:$0x1] =	stream.indirect_vreg.gather [hbm4b:s6+s2], $0x80, v3, vm1, $0xb8;
	[tilespmem:$0x18400] =	vst v63  }
0x390: {  	v3 =	vld [tilespmem:$0x320];
	_ =	sdelay $0x4  }
0x391: {  	v50 =	vshrl.u32 v3, $0x3  }
0x392: {  	v4 =	vmul.u32 $0x18, v50  }
0x393: {  	v3 =	vand.u32 $0x7, v3  }
0x394: {  	v3 =	vor.u32 v3, v4  }
0x395: {  	v4 =	vperm.xlane v3, v0;
	_ =	sdelay $0x1  }
0x396: {  	v4 =	vadd.s32 v1, v4;
	_ =	sdelay $0x1  }
0x397: {  	v3 =	vperm.xlane v3, v2;
	_ =	sdelay $0x1  }
0x398: {  	s11 =	simm.s32 $0x3400;
	v3 =	vadd.s32 v1, v3  }
0x399: {  	[tilespmem:s11], [sflag:$0x1] =	stream.indirect_vreg.gather [hbm4b:s4+s2], $0x80, v4, vm0, $0xb8;
	[tilespmem:$0x18400] =	vst v63  }
0x39a: {  	s23 =	simm.s32 $0x3C00  }
0x39b: {  	[tilespmem:s23], [sflag:$0x1] =	stream.indirect_vreg.gather [hbm4b:s6+s2], $0x80, v4, vm1, $0xb8;
	[tilespmem:$0x18400] =	vst v63  }
0x39c: {  	s24 =	simm.s32 $0x4000  }
0x39d: {  	[tilespmem:s24], [sflag:$0x1] =	stream.indirect_vreg.gather [hbm4b:s4+s2], $0x80, v3, vm0, $0xb8;
	[tilespmem:$0x18400] =	vst v63  }
0x39e: {  	s24 =	simm.s32 $0x4800  }
0x39f: {  	[tilespmem:s24], [sflag:$0x1] =	stream.indirect_vreg.gather [hbm4b:s6+s2], $0x80, v3, vm1, $0xb8;
	[tilespmem:$0x18400] =	vst v63  }
0x3a0: {  	v3 =	vld [tilespmem:$0x330];
	_ =	sdelay $0x4  }
0x3a1: {  	v51 =	vshrl.u32 v3, $0x3  }
0x3a2: {  	v4 =	vmul.u32 $0x18, v51  }
0x3a3: {  	v3 =	vand.u32 $0x7, v3  }
0x3a4: {  	v3 =	vor.u32 v3, v4  }
0x3a5: {  	v4 =	vperm.xlane v3, v0;
	_ =	sdelay $0x1  }
0x3a6: {  	v4 =	vadd.s32 v1, v4;
	_ =	sdelay $0x1  }
0x3a7: {  	v3 =	vperm.xlane v3, v2;
	_ =	sdelay $0x1  }
0x3a8: {  	s25 =	simm.s32 $0x4C00;
	v3 =	vadd.s32 v1, v3  }
0x3a9: {  	[tilespmem:s25], [sflag:$0x1] =	stream.indirect_vreg.gather [hbm4b:s4+s2], $0x80, v4, vm0, $0xb8;
	[tilespmem:$0x18400] =	vst v63  }
0x3aa: {  	s26 =	simm.s32 $0x5400  }
0x3ab: {  	[tilespmem:s26], [sflag:$0x1] =	stream.indirect_vreg.gather [hbm4b:s6+s2], $0x80, v4, vm1, $0xb8;
	[tilespmem:$0x18400] =	vst v63  }
0x3ac: {  	s28 =	simm.s32 $0x5800  }
0x3ad: {  	[tilespmem:s28], [sflag:$0x1] =	stream.indirect_vreg.gather [hbm4b:s4+s2], $0x80, v3, vm0, $0xb8;
	[tilespmem:$0x18400] =	vst v63  }
0x3ae: {  	s25 =	simm.s32 $0x6000  }
0x3af: {  	[tilespmem:s25], [sflag:$0x1] =	stream.indirect_vreg.gather [hbm4b:s6+s2], $0x80, v3, vm1, $0xb8;
	[tilespmem:$0x18400] =	vst v63  }
0x3b0: {  	v3 =	vld [tilespmem:$0x340];
	_ =	sdelay $0x4  }
0x3b1: {  	v52 =	vshrl.u32 v3, $0x3  }
0x3b2: {  	v4 =	vmul.u32 $0x18, v52  }
0x3b3: {  	v3 =	vand.u32 $0x7, v3  }
0x3b4: {  	v3 =	vor.u32 v3, v4  }
0x3b5: {  	v4 =	vperm.xlane v3, v0;
	_ =	sdelay $0x1  }
0x3b6: {  	v4 =	vadd.s32 v1, v4;
	_ =	sdelay $0x1  }
0x3b7: {  	v3 =	vperm.xlane v3, v2;
	_ =	sdelay $0x1  }
0x3b8: {  	s29 =	simm.s32 $0x6400;
	v3 =	vadd.s32 v1, v3  }
0x3b9: {  	[tilespmem:s29], [sflag:$0x1] =	stream.indirect_vreg.gather [hbm4b:s4+s2], $0x80, v4, vm0, $0xb8;
	[tilespmem:$0x18400] =	vst v63  }
0x3ba: {  	s30 =	simm.s32 $0x6C00  }
0x3bb: {  	[tilespmem:s30], [sflag:$0x1] =	stream.indirect_vreg.gather [hbm4b:s6+s2], $0x80, v4, vm1, $0xb8;
	[tilespmem:$0x18400] =	vst v63  }
0x3bc: {  	s16 =	simm.s32 $0x7000  }
0x3bd: {  	[tilespmem:s16], [sflag:$0x1] =	stream.indirect_vreg.gather [hbm4b:s4+s2], $0x80, v3, vm0, $0xb8;
	[tilespmem:$0x18400] =	vst v63  }
0x3be: {  	s26 =	simm.s32 $0x7800  }
0x3bf: {  	[tilespmem:s26], [sflag:$0x1] =	stream.indirect_vreg.gather [hbm4b:s6+s2], $0x80, v3, vm1, $0xb8;
	[tilespmem:$0x18400] =	vst v63  }
0x3c0: {  	v3 =	vld [tilespmem:$0x350];
	_ =	sdelay $0x4  }
0x3c1: {  	v53 =	vshrl.u32 v3, $0x3  }
0x3c2: {  	v4 =	vmul.u32 $0x18, v53  }
0x3c3: {  	v3 =	vand.u32 $0x7, v3  }
0x3c4: {  	v3 =	vor.u32 v3, v4  }
0x3c5: {  	v4 =	vperm.xlane v3, v0;
	_ =	sdelay $0x1  }
0x3c6: {  	v4 =	vadd.s32 v1, v4;
	_ =	sdelay $0x1  }
0x3c7: {  	v3 =	vperm.xlane v3, v2;
	_ =	sdelay $0x1  }
0x3c8: {  	s17 =	simm.s32 $0x7C00;
	v3 =	vadd.s32 v1, v3  }
0x3c9: {  	[tilespmem:s17], [sflag:$0x1] =	stream.indirect_vreg.gather [hbm4b:s4+s2], $0x80, v4, vm0, $0xb8;
	[tilespmem:$0x18400] =	vst v63  }
0x3ca: {  	s18 =	simm.s32 $0x8400  }
0x3cb: {  	[tilespmem:s18], [sflag:$0x1] =	stream.indirect_vreg.gather [hbm4b:s6+s2], $0x80, v4, vm1, $0xb8;
	[tilespmem:$0x18400] =	vst v63  }
0x3cc: {  	s19 =	simm.s32 $0x8800  }
0x3cd: {  	[tilespmem:s19], [sflag:$0x1] =	stream.indirect_vreg.gather [hbm4b:s4+s2], $0x80, v3, vm0, $0xb8;
	[tilespmem:$0x18400] =	vst v63  }
0x3ce: {  	s28 =	simm.s32 $0x9000  }
0x3cf: {  	[tilespmem:s28], [sflag:$0x1] =	stream.indirect_vreg.gather [hbm4b:s6+s2], $0x80, v3, vm1, $0xb8;
	[tilespmem:$0x18400] =	vst v63  }
0x3d0: {  	v3 =	vld [tilespmem:$0x360];
	_ =	sdelay $0x4  }
0x3d1: {  	v54 =	vshrl.u32 v3, $0x3  }
0x3d2: {  	v4 =	vmul.u32 $0x18, v54  }
0x3d3: {  	v3 =	vand.u32 $0x7, v3  }
0x3d4: {  	v3 =	vor.u32 v3, v4  }
0x3d5: {  	v4 =	vperm.xlane v3, v0;
	_ =	sdelay $0x1  }
0x3d6: {  	v4 =	vadd.s32 v1, v4;
	_ =	sdelay $0x1  }
0x3d7: {  	v3 =	vperm.xlane v3, v2;
	_ =	sdelay $0x1  }
0x3d8: {  	s21 =	simm.s32 $0x9400;
	v3 =	vadd.s32 v1, v3  }
0x3d9: {  	[tilespmem:s21], [sflag:$0x1] =	stream.indirect_vreg.gather [hbm4b:s4+s2], $0x80, v4, vm0, $0xb8;
	[tilespmem:$0x18400] =	vst v63  }
0x3da: {  	s22 =	simm.s32 $0x9C00  }
0x3db: {  	[tilespmem:s22], [sflag:$0x1] =	stream.indirect_vreg.gather [hbm4b:s6+s2], $0x80, v4, vm1, $0xb8;
	[tilespmem:$0x18400] =	vst v63  }
0x3dc: {  	s20 =	simm.s32 $0xA000  }
0x3dd: {  	[tilespmem:s20], [sflag:$0x1] =	stream.indirect_vreg.gather [hbm4b:s4+s2], $0x80, v3, vm0, $0xb8;
	[tilespmem:$0x18400] =	vst v63  }
0x3de: {  	s29 =	simm.s32 $0xA800  }
0x3df: {  	[tilespmem:s29], [sflag:$0x1] =	stream.indirect_vreg.gather [hbm4b:s6+s2], $0x80, v3, vm1, $0xb8;
	[tilespmem:$0x18400] =	vst v63  }
0x3e0: {  	v3 =	vld [tilespmem:$0x370];
	_ =	sdelay $0x4  }
0x3e1: {  	v55 =	vshrl.u32 v3, $0x3  }
0x3e2: {  	v4 =	vmul.u32 $0x18, v55  }
0x3e3: {  	v3 =	vand.u32 $0x7, v3  }
0x3e4: {  	v3 =	vor.u32 v3, v4  }
0x3e5: {  	v4 =	vperm.xlane v3, v0;
	_ =	sdelay $0x1  }
0x3e6: {  	v4 =	vadd.s32 v1, v4;
	_ =	sdelay $0x1  }
0x3e7: {  	v3 =	vperm.xlane v3, v2;
	_ =	sdelay $0x1  }
0x3e8: {  	s30 =	simm.s32 $0xAC00;
	v3 =	vadd.s32 v1, v3  }
0x3e9: {  	[tilespmem:s30], [sflag:$0x1] =	stream.indirect_vreg.gather [hbm4b:s4+s2], $0x80, v4, vm0, $0xb8;
	[tilespmem:$0x18400] =	vst v63  }
0x3ea: {  	s16 =	simm.s32 $0xB400  }
0x3eb: {  	[tilespmem:s16], [sflag:$0x1] =	stream.indirect_vreg.gather [hbm4b:s6+s2], $0x80, v4, vm1, $0xb8;
	[tilespmem:$0x18400] =	vst v63  }
0x3ec: {  	_ = 	snop  }
0x3ed: {  	[tilespmem:s31], [sflag:$0x1] =	stream.indirect_vreg.gather [hbm4b:s4+s2], $0x80, v3, vm0, $0xb8;
	[tilespmem:$0x18400] =	vst v63  }
0x3ee: {  	_ = 	snop  }
0x3ef: {  	[tilespmem:s13], [sflag:$0x1] =	stream.indirect_vreg.gather [hbm4b:s6+s2], $0x80, v3, vm1, $0xb8;
	[tilespmem:$0x18400] =	vst v63  }
0x3f0: {  	_ =	swait.ge [sflag:s8], $0xC000  }
0x3f1: {  	[sflag:s8] =	ssyncset.done $0x0  }
0x3f2: {  	s14 =	simm.s32 $0xC400;
	s17 =	rddreg [dreg:$0x11];
	[sflag:s8] =	ssyncadd.s32 $0xFFFF4000  }
0x3f3: {  	[hbm4b:s17+s12] =	stream.strided.scatter [tilespmem:s14], [sflag:$0x2], $0xC000, s7, s12, $0x38;
	[tilespmem:$0x18400] =	vst v63  }
0x3f4: {  	_ =	swait.ge [sflag:s1], $0xC000  }
0x3f5: {  	[sflag:s1] =	ssyncset.done $0x0  }
0x3f6: {  	[sflag:s1] =	ssyncadd.s32 $0xFFFF4000  }
0x3f7: {  	v3 =	vld [tilespmem:$0x380];
	_ =	sdelay $0x4  }
0x3f8: {  	v56 =	vshrl.u32 v3, $0x3  }
0x3f9: {  	v4 =	vmul.u32 $0x18, v56  }
0x3fa: {  	v3 =	vand.u32 $0x7, v3  }
0x3fb: {  	v3 =	vor.u32 v3, v4  }
0x3fc: {  	v4 =	vperm.xlane v3, v0;
	_ =	sdelay $0x1  }
0x3fd: {  	v4 =	vadd.s32 v1, v4;
	_ =	sdelay $0x1  }
0x3fe: {  	v3 =	vperm.xlane v3, v2;
	_ =	sdelay $0x1  }
0x3ff: {  	v3 =	vadd.s32 v1, v3  }
0x400: {  	[tilespmem:s14], [sflag:$0x1] =	stream.indirect_vreg.gather [hbm4b:s4+s2], $0x80, v4, vm0, $0xb8;
	[tilespmem:$0x18400] =	vst v63  }
0x401: {  	_ = 	snop  }
0x402: {  	[tilespmem:s0], [sflag:$0x1] =	stream.indirect_vreg.gather [hbm4b:s6+s2], $0x80, v4, vm1, $0xb8;
	[tilespmem:$0x18400] =	vst v63  }
0x403: {  	_ = 	snop  }
0x404: {  	[tilespmem:s10], [sflag:$0x1] =	stream.indirect_vreg.gather [hbm4b:s4+s2], $0x80, v3, vm0, $0xb8;
	[tilespmem:$0x18400] =	vst v63  }
0x405: {  	s18 =	simm.s32 $0xD800  }
0x406: {  	[tilespmem:s18], [sflag:$0x1] =	stream.indirect_vreg.gather [hbm4b:s6+s2], $0x80, v3, vm1, $0xb8;
	[tilespmem:$0x18400] =	vst v63  }
0x407: {  	v3 =	vld [tilespmem:$0x390];
	_ =	sdelay $0x4  }
0x408: {  	v57 =	vshrl.u32 v3, $0x3  }
0x409: {  	v4 =	vmul.u32 $0x18, v57  }
0x40a: {  	v3 =	vand.u32 $0x7, v3  }
0x40b: {  	v3 =	vor.u32 v3, v4  }
0x40c: {  	v4 =	vperm.xlane v3, v0;
	_ =	sdelay $0x1  }
0x40d: {  	v4 =	vadd.s32 v1, v4;
	_ =	sdelay $0x1  }
0x40e: {  	v3 =	vperm.xlane v3, v2;
	_ =	sdelay $0x1  }
0x40f: {  	s19 =	simm.s32 $0xDC00;
	v3 =	vadd.s32 v1, v3  }
0x410: {  	[tilespmem:s19], [sflag:$0x1] =	stream.indirect_vreg.gather [hbm4b:s4+s2], $0x80, v4, vm0, $0xb8;
	[tilespmem:$0x18400] =	vst v63  }
0x411: {  	s20 =	simm.s32 $0xE400  }
0x412: {  	[tilespmem:s20], [sflag:$0x1] =	stream.indirect_vreg.gather [hbm4b:s6+s2], $0x80, v4, vm1, $0xb8;
	[tilespmem:$0x18400] =	vst v63  }
0x413: {  	s21 =	simm.s32 $0xE800  }
0x414: {  	[tilespmem:s21], [sflag:$0x1] =	stream.indirect_vreg.gather [hbm4b:s4+s2], $0x80, v3, vm0, $0xb8;
	[tilespmem:$0x18400] =	vst v63  }
0x415: {  	s22 =	simm.s32 $0xF000  }
0x416: {  	[tilespmem:s22], [sflag:$0x1] =	stream.indirect_vreg.gather [hbm4b:s6+s2], $0x80, v3, vm1, $0xb8;
	[tilespmem:$0x18400] =	vst v63  }
0x417: {  	v3 =	vld [tilespmem:$0x3A0];
	_ =	sdelay $0x4  }
0x418: {  	v58 =	vshrl.u32 v3, $0x3  }
0x419: {  	v4 =	vmul.u32 $0x18, v58  }
0x41a: {  	v3 =	vand.u32 $0x7, v3  }
0x41b: {  	v3 =	vor.u32 v3, v4  }
0x41c: {  	v4 =	vperm.xlane v3, v0;
	_ =	sdelay $0x1  }
0x41d: {  	v4 =	vadd.s32 v1, v4;
	_ =	sdelay $0x1  }
0x41e: {  	v3 =	vperm.xlane v3, v2;
	_ =	sdelay $0x1  }
0x41f: {  	s23 =	simm.s32 $0xF400;
	v3 =	vadd.s32 v1, v3  }
0x420: {  	[tilespmem:s23], [sflag:$0x1] =	stream.indirect_vreg.gather [hbm4b:s4+s2], $0x80, v4, vm0, $0xb8;
	[tilespmem:$0x18400] =	vst v63  }
0x421: {  	s24 =	simm.s32 $0xFC00  }
0x422: {  	[tilespmem:s24], [sflag:$0x1] =	stream.indirect_vreg.gather [hbm4b:s6+s2], $0x80, v4, vm1, $0xb8;
	[tilespmem:$0x18400] =	vst v63  }
0x423: {  	s25 =	simm.s32 $0x10000  }
0x424: {  	[tilespmem:s25], [sflag:$0x1] =	stream.indirect_vreg.gather [hbm4b:s4+s2], $0x80, v3, vm0, $0xb8;
	[tilespmem:$0x18400] =	vst v63  }
0x425: {  	s26 =	simm.s32 $0x10800  }
0x426: {  	[tilespmem:s26], [sflag:$0x1] =	stream.indirect_vreg.gather [hbm4b:s6+s2], $0x80, v3, vm1, $0xb8;
	[tilespmem:$0x18400] =	vst v63  }
0x427: {  	v3 =	vld [tilespmem:$0x3B0];
	_ =	sdelay $0x4  }
0x428: {  	v59 =	vshrl.u32 v3, $0x3  }
0x429: {  	v4 =	vmul.u32 $0x18, v59  }
0x42a: {  	v3 =	vand.u32 $0x7, v3  }
0x42b: {  	v3 =	vor.u32 v3, v4  }
0x42c: {  	v4 =	vperm.xlane v3, v0;
	_ =	sdelay $0x1  }
0x42d: {  	v4 =	vadd.s32 v1, v4;
	_ =	sdelay $0x1  }
0x42e: {  	v3 =	vperm.xlane v3, v2;
	_ =	sdelay $0x1  }
0x42f: {  	s28 =	simm.s32 $0x10C00;
	v3 =	vadd.s32 v1, v3  }
0x430: {  	[tilespmem:s28], [sflag:$0x1] =	stream.indirect_vreg.gather [hbm4b:s4+s2], $0x80, v4, vm0, $0xb8;
	[tilespmem:$0x18400] =	vst v63  }
0x431: {  	s29 =	simm.s32 $0x11400  }
0x432: {  	[tilespmem:s29], [sflag:$0x1] =	stream.indirect_vreg.gather [hbm4b:s6+s2], $0x80, v4, vm1, $0xb8;
	[tilespmem:$0x18400] =	vst v63  }
0x433: {  	s30 =	simm.s32 $0x11800  }
0x434: {  	[tilespmem:s30], [sflag:$0x1] =	stream.indirect_vreg.gather [hbm4b:s4+s2], $0x80, v3, vm0, $0xb8;
	[tilespmem:$0x18400] =	vst v63  }
0x435: {  	s31 =	simm.s32 $0x12000  }
0x436: {  	[tilespmem:s31], [sflag:$0x1] =	stream.indirect_vreg.gather [hbm4b:s6+s2], $0x80, v3, vm1, $0xb8;
	[tilespmem:$0x18400] =	vst v63  }
0x437: {  	v3 =	vld [tilespmem:$0x3C0];
	_ =	sdelay $0x4  }
0x438: {  	v60 =	vshrl.u32 v3, $0x3  }
0x439: {  	v4 =	vmul.u32 $0x18, v60  }
0x43a: {  	v3 =	vand.u32 $0x7, v3  }
0x43b: {  	v3 =	vor.u32 v3, v4  }
0x43c: {  	v4 =	vperm.xlane v3, v0;
	_ =	sdelay $0x1  }
0x43d: {  	v4 =	vadd.s32 v1, v4;
	_ =	sdelay $0x1  }
0x43e: {  	v3 =	vperm.xlane v3, v2;
	_ =	sdelay $0x1  }
0x43f: {  	s10 =	simm.s32 $0x12400;
	v3 =	vadd.s32 v1, v3  }
0x440: {  	[tilespmem:s10], [sflag:$0x1] =	stream.indirect_vreg.gather [hbm4b:s4+s2], $0x80, v4, vm0, $0xb8;
	[tilespmem:$0x18400] =	vst v63  }
0x441: {  	s11 =	simm.s32 $0x12C00  }
0x442: {  	[tilespmem:s11], [sflag:$0x1] =	stream.indirect_vreg.gather [hbm4b:s6+s2], $0x80, v4, vm1, $0xb8;
	[tilespmem:$0x18400] =	vst v63  }
0x443: {  	s13 =	simm.s32 $0x13000  }
0x444: {  	[tilespmem:s13], [sflag:$0x1] =	stream.indirect_vreg.gather [hbm4b:s4+s2], $0x80, v3, vm0, $0xb8;
	[tilespmem:$0x18400] =	vst v63  }
0x445: {  	s16 =	simm.s32 $0x13800  }
0x446: {  	[tilespmem:s16], [sflag:$0x1] =	stream.indirect_vreg.gather [hbm4b:s6+s2], $0x80, v3, vm1, $0xb8;
	[tilespmem:$0x18400] =	vst v63  }
0x447: {  	v3 =	vld [tilespmem:$0x3D0];
	_ =	sdelay $0x4  }
0x448: {  	v61 =	vshrl.u32 v3, $0x3  }
0x449: {  	v4 =	vmul.u32 $0x18, v61  }
0x44a: {  	v3 =	vand.u32 $0x7, v3  }
0x44b: {  	v3 =	vor.u32 v3, v4  }
0x44c: {  	v4 =	vperm.xlane v3, v0;
	_ =	sdelay $0x1  }
0x44d: {  	v4 =	vadd.s32 v1, v4;
	_ =	sdelay $0x1  }
0x44e: {  	v3 =	vperm.xlane v3, v2;
	_ =	sdelay $0x1  }
0x44f: {  	s17 =	simm.s32 $0x13C00;
	v3 =	vadd.s32 v1, v3  }
0x450: {  	[tilespmem:s17], [sflag:$0x1] =	stream.indirect_vreg.gather [hbm4b:s4+s2], $0x80, v4, vm0, $0xb8;
	[tilespmem:$0x18400] =	vst v63  }
0x451: {  	s18 =	simm.s32 $0x14400  }
0x452: {  	[tilespmem:s18], [sflag:$0x1] =	stream.indirect_vreg.gather [hbm4b:s6+s2], $0x80, v4, vm1, $0xb8;
	[tilespmem:$0x18400] =	vst v63  }
0x453: {  	s19 =	simm.s32 $0x14800  }
0x454: {  	[tilespmem:s19], [sflag:$0x1] =	stream.indirect_vreg.gather [hbm4b:s4+s2], $0x80, v3, vm0, $0xb8;
	[tilespmem:$0x18400] =	vst v63  }
0x455: {  	s20 =	simm.s32 $0x15000  }
0x456: {  	[tilespmem:s20], [sflag:$0x1] =	stream.indirect_vreg.gather [hbm4b:s6+s2], $0x80, v3, vm1, $0xb8;
	[tilespmem:$0x18400] =	vst v63  }
0x457: {  	v3 =	vld [tilespmem:$0x3E0];
	_ =	sdelay $0x4  }
0x458: {  	v62 =	vshrl.u32 v3, $0x3  }
0x459: {  	v4 =	vmul.u32 $0x18, v62  }
0x45a: {  	v3 =	vand.u32 $0x7, v3  }
0x45b: {  	v3 =	vor.u32 v3, v4  }
0x45c: {  	v4 =	vperm.xlane v3, v0;
	_ =	sdelay $0x1  }
0x45d: {  	v4 =	vadd.s32 v1, v4;
	_ =	sdelay $0x1  }
0x45e: {  	v3 =	vperm.xlane v3, v2;
	_ =	sdelay $0x1  }
0x45f: {  	s21 =	simm.s32 $0x15400;
	v3 =	vadd.s32 v1, v3  }
0x460: {  	[tilespmem:s21], [sflag:$0x1] =	stream.indirect_vreg.gather [hbm4b:s4+s2], $0x80, v4, vm0, $0xb8;
	[tilespmem:$0x18400] =	vst v63  }
0x461: {  	s22 =	simm.s32 $0x15C00  }
0x462: {  	[tilespmem:s22], [sflag:$0x1] =	stream.indirect_vreg.gather [hbm4b:s6+s2], $0x80, v4, vm1, $0xb8;
	[tilespmem:$0x18400] =	vst v63  }
0x463: {  	s23 =	simm.s32 $0x16000  }
0x464: {  	[tilespmem:s23], [sflag:$0x1] =	stream.indirect_vreg.gather [hbm4b:s4+s2], $0x80, v3, vm0, $0xb8;
	[tilespmem:$0x18400] =	vst v63  }
0x465: {  	s24 =	simm.s32 $0x16800  }
0x466: {  	[tilespmem:s24], [sflag:$0x1] =	stream.indirect_vreg.gather [hbm4b:s6+s2], $0x80, v3, vm1, $0xb8;
	[tilespmem:$0x18400] =	vst v63  }
0x467: {  	v3 =	vld [tilespmem:$0x3F0];
	_ =	sdelay $0x4  }
0x468: {  	v63 =	vshrl.u32 v3, $0x3  }
0x469: {  	v4 =	vmul.u32 $0x18, v63  }
0x46a: {  	v3 =	vand.u32 $0x7, v3  }
0x46b: {  	v3 =	vor.u32 v3, v4  }
0x46c: {  	v4 =	vperm.xlane v3, v0;
	_ =	sdelay $0x1  }
0x46d: {  	v4 =	vadd.s32 v1, v4;
	_ =	sdelay $0x1  }
0x46e: {  	v3 =	vperm.xlane v3, v2;
	_ =	sdelay $0x1  }
0x46f: {  	s25 =	simm.s32 $0x16C00;
	v3 =	vadd.s32 v1, v3  }
0x470: {  	[tilespmem:s25], [sflag:$0x1] =	stream.indirect_vreg.gather [hbm4b:s4+s2], $0x80, v4, vm0, $0xb8;
	[tilespmem:$0x18400] =	vst v63  }
0x471: {  	s26 =	simm.s32 $0x17400  }
0x472: {  	[tilespmem:s26], [sflag:$0x1] =	stream.indirect_vreg.gather [hbm4b:s6+s2], $0x80, v4, vm1, $0xb8;
	[tilespmem:$0x18400] =	vst v63  }
0x473: {  	s28 =	simm.s32 $0x17800  }
0x474: {  	[tilespmem:s28], [sflag:$0x1] =	stream.indirect_vreg.gather [hbm4b:s4+s2], $0x80, v3, vm0, $0xb8;
	[tilespmem:$0x18400] =	vst v63  }
0x475: {  	s29 =	simm.s32 $0x18000  }
0x476: {  	[tilespmem:s29], [sflag:$0x1] =	stream.indirect_vreg.gather [hbm4b:s6+s2], $0x80, v3, vm1, $0xb8;
	[tilespmem:$0x18400] =	vst v63  }
0x477: {  	_ =	swait.ge [sflag:s8], $0xC000  }
0x478: {  	[sflag:s8] =	ssyncset.done $0x0  }
0x479: {  	s15 =	simm.s32 $0x400;
	s30 =	rddreg [dreg:$0x12];
	[sflag:s8] =	ssyncadd.s32 $0xFFFF4000  }
0x47a: {  	[hbm4b:s30+s12] =	stream.strided.scatter [tilespmem:s15], [sflag:$0x2], $0xC000, s7, s12, $0x38;
	[tilespmem:$0x18400] =	vst v63  }
0x47b: {  	_ =	swait.ge [sflag:s8], $0xC000  }
0x47c: {  	[sflag:s8] =	ssyncset.done $0x0  }
0x47d: {  	s31 =	rddreg [dreg:$0x13];
	[sflag:s8] =	ssyncadd.s32 $0xFFFF4000  }
0x47e: {  	[hbm4b:s31+s12] =	stream.strided.scatter [tilespmem:s14], [sflag:$0x2], $0xC000, s7, s12, $0x38;
	[tilespmem:$0x18400] =	vst v63  }
0x47f: {  	p0 =	sne.s32 s9, $0x1;
	_ =	swait.ge [sflag:s1], $0xC000  }
.Ltmp0:
0x480: {  	[sflag:s1] =	ssyncset.done $0x0;
	(pc) =	sbr.rel @p0 .LBB2_1-.Ltmp0, $4  }
0x481: {  	[sflag:s1] =	ssyncadd.s32 $0xFFFF4000  }
0x482: {  	_ =	swait.ge [sflag:s1], $0xC000  }
0x483: {  	[sflag:s1] =	ssyncset.done $0x0  }
0x484: {  	s9 =	sadd.s32 $0xFFFFFFFF, s9;
	[sflag:s1] =	ssyncadd.s32 $0xFFFF4000  }
0x485: {  	_ =	sfence.sel $0x180000  }
0x486: {  	[bflag:$0x0] =	sbarrier.arrive $0xFFFF  }
0x487: {  	_ =	strace $0x90000047  }
0x488: {  	s0 =	stileid.u32;
	[bflag:$0x2] =	sbarrier.arrive $0xFFFF  }
0x489: {  	p0 =	sne.s32 s0, $0x0;
	s0 =	rddreg [dreg:$0x3]  }
0x48a: {  	s0 =	sadd.s32 @!p0 $0x100000, s0  }
0x48b: {  	[sflag:s0] =	ssyncadd.tile.s32 @!p0 $0x1;
	_ =	shalt  }
.Lfunc_end2:
_tile_overlayer_lowered:
.L_overlay_start_2:
0x48c: {  	(tag) =	ssettag $0x2  }
0x48d: {  	s0 =	rddreg [dreg:$0x0];
	s2 =	stileid.u32  }
0x48e: {  	s1 =	rddreg [dreg:$0x1];
	p0 =	sne.s32 s2, $0x0  }
0x48f: {  	s3 =	rddreg [dreg:$0x2];
	[bflag:$0x3] =	sbarrier.arrive $0xFFFF;
	s2 =	simm.s32 @!p0 $0x1C03  }
0x490: {  	[timem:s3], [sflag:s2] =	dma.local @!p0 [hbm:s0], s1  }
0x491: {  	s0 =	simm.s32 @!p0 $0x3  }
0x492: {  	_ =	swait.ge @!p0 [sflag:s0], s1  }
0x493: {  	s1 =	ssub.s32 @!p0 $0x0, s1;
	[sflag:s0] =	ssyncset.done @!p0 $0x0  }
0x494: {  	[sflag:s0] =	ssyncadd.s32 @!p0 s1  }
0x495: {  	[bflag:$0x3] =	sbarrier.arrive $0xFFFF  }
0x496: {  	_ =	shalt  }

</sc_bundles>
